<compile_context>
chip_gen: v7x
topology: tpu7x:2x2x1
jax: 0.10.2.dev20260603
libtpu: 0.0.44.dev20260713+nightly
codegen_flags: <defaults>
</compile_context>

<pallas_src>
import functools

import jax
import jax.numpy as jnp
from jax import lax
from jax.experimental import pallas as pl
from jax.experimental.pallas import tpu as pltpu
from jax.experimental.pallas import tpu_sc as plsc

N = 10000
D = 128
E = 320000
NC = 2
NS = 16
BATCH = 128
K = 160
G = 16
NGRP = K // G
EP = NS * K * BATCH
N_PAD = 10240
ZROWS = N_PAD // NS


@functools.cache
def _make_sc_aggregate():
    mesh = plsc.VectorSubcoreMesh(
        core_axis_name="c", subcore_axis_name="s",
        num_cores=NC, num_subcores=NS)

    @functools.partial(
        pl.kernel,
        out_type=jax.ShapeDtypeStruct((NC, N_PAD, D), jnp.float32),
        mesh=mesh,
        scratch_types=[
            pltpu.VMEM((G, BATCH), jnp.int32),
            pltpu.VMEM((G, BATCH), jnp.int32),
            pltpu.VMEM((G, BATCH), jnp.int32),
            pltpu.VMEM((G, BATCH), jnp.int32),
            pltpu.VMEM((BATCH, D), jnp.float32),
            pltpu.VMEM((BATCH, D), jnp.float32),
            pltpu.VMEM_SHARED((N_PAD, D), jnp.float32),
            pltpu.SemaphoreType.DMA,
            pltpu.SemaphoreType.DMA,
            pltpu.SemaphoreType.DMA,
        ],
    )
    def sc_aggregate(pre_hbm, srcs_hbm, dsts_hbm, out_hbm,
                     src_a, dst_a, src_b, dst_b, bufa, bufb, agg_sh,
                     sema, semb, semi):
        c = lax.axis_index("c")
        s = lax.axis_index("s")
        pltpu.async_copy(srcs_hbm.at[c, s, pl.ds(0, G)], src_a, semi)
        pltpu.async_copy(dsts_hbm.at[s, pl.ds(0, G)], dst_a, semi)
        zv = jnp.zeros((16,), jnp.float32)

        def zrow(r, carry):
            for kk in range(D // 16):
                bufa.at[r][pl.ds(16 * kk, 16)] = zv
            return carry

        lax.fori_loop(0, BATCH, zrow, 0)
        for z in range(ZROWS // BATCH):
            pltpu.sync_copy(
                bufa, agg_sh.at[pl.ds(s * ZROWS + z * BATCH, BATCH)])
        plsc.subcore_barrier()

        def idx_wait(g, src_v, dst_v):
            pltpu.make_async_copy(
                srcs_hbm.at[c, s, pl.ds(g * G, G)], src_v, semi).wait()
            pltpu.make_async_copy(
                dsts_hbm.at[s, pl.ds(g * G, G)], dst_v, semi).wait()

        def idx_fetch(g, src_v, dst_v):
            pltpu.async_copy(
                srcs_hbm.at[c, s, pl.ds(g * G, G)], src_v, semi)
            pltpu.async_copy(
                dsts_hbm.at[s, pl.ds(g * G, G)], dst_v, semi)

        idx_wait(0, src_a, dst_a)
        idx_fetch(1, src_b, dst_b)
        pltpu.async_copy(pre_hbm.at[src_a.at[0]], bufa, sema)
        pltpu.async_copy(pre_hbm.at[src_a.at[1]], bufb, semb)

        def do_group(g, src_v, dst_v, osrc, odst):
            def body(t, carry):
                j = 2 * t
                pltpu.make_async_copy(
                    pre_hbm.at[src_v.at[j]], bufa, sema).wait()
                pltpu.sync_copy(bufa, agg_sh.at[dst_v.at[j]], add=True)

                @pl.when(j + 2 < G)
                def _next_a():
                    pltpu.async_copy(
                        pre_hbm.at[src_v.at[j + 2]], bufa, sema)

                @pl.when((j + 2 >= G) & (g + 1 < NGRP))
                def _wrap_a():
                    idx_wait(g + 1, osrc, odst)
                    pltpu.async_copy(pre_hbm.at[osrc.at[0]], bufa, sema)

                pltpu.make_async_copy(
                    pre_hbm.at[src_v.at[j + 1]], bufb, semb).wait()
                pltpu.sync_copy(bufb, agg_sh.at[dst_v.at[j + 1]], add=True)

                @pl.when(j + 3 < G)
                def _next_b():
                    pltpu.async_copy(
                        pre_hbm.at[src_v.at[j + 3]], bufb, semb)

                @pl.when((j + 3 >= G) & (g + 1 < NGRP))
                def _wrap_b():
                    pltpu.async_copy(pre_hbm.at[osrc.at[1]], bufb, semb)

                return carry

            lax.fori_loop(0, G // 2, body, 0)

            @pl.when(g + 2 < NGRP)
            def _fetch_next():
                idx_fetch(g + 2, src_v, dst_v)

        def pair_body(g2, carry):
            do_group(2 * g2, src_a, dst_a, src_b, dst_b)
            do_group(2 * g2 + 1, src_b, dst_b, src_a, dst_a)
            return carry

        lax.fori_loop(0, NGRP // 2, pair_body, 0)
        plsc.subcore_barrier()
        pltpu.sync_copy(agg_sh.at[pl.ds(s * ZROWS, ZROWS)],
                        out_hbm.at[c, pl.ds(s * ZROWS, ZROWS)])

    return sc_aggregate


def _mm_body(s1_ref, s2_ref, w_ref, b_ref, o_ref):
    ci = pl.program_id(0)
    x = jnp.where(ci == 0, s1_ref[...], s2_ref[...])
    o_ref[...] = (
        jnp.dot(x, w_ref[...], preferred_element_type=jnp.float32)
        + b_ref[...]
    )


def _colsum_body(a_ref, o_ref):
    i = pl.program_id(0)

    @pl.when(i == 0)
    def _init():
        o_ref[...] = jnp.zeros_like(o_ref)

    h = a_ref[0]
    h = jnp.where(h > 0, h, 0.25 * h)
    o_ref[...] += jnp.sum(h, axis=0, keepdims=True)


def _score_body(a_ref, cs_ref, w_ref, b_ref, o_ref, wc_ref):
    i = pl.program_id(0)

    @pl.when(i == 0)
    def _init():
        cvec = jax.nn.sigmoid(cs_ref[...] * (1.0 / N))
        wc_ref[...] = lax.dot_general(
            cvec, w_ref[...], (((1,), (1,)), ((), ())),
            preferred_element_type=jnp.float32)

    h = a_ref[...]
    h = jnp.where(h > 0, h, 0.25 * h)
    o_ref[...] = jnp.sum(h * wc_ref[...], axis=1, keepdims=True) + b_ref[...]


def kernel(seq1, seq2, adj, W_gcn, b_gcn, W_disc, b_disc):
    pre = pl.pallas_call(
        _mm_body,
        grid=(2, 5),
        in_specs=[
            pl.BlockSpec((2000, D), lambda ci, i: (i, 0)),
            pl.BlockSpec((2000, D), lambda ci, i: (i, 0)),
            pl.BlockSpec((D, D), lambda ci, i: (0, 0)),
            pl.BlockSpec((1, D), lambda ci, i: (0, 0)),
        ],
        out_specs=pl.BlockSpec((2000, D), lambda ci, i: (i, ci)),
        out_shape=jax.ShapeDtypeStruct((N, NC * D), jnp.float32),
    )(seq1, seq2, W_gcn, b_gcn.reshape(1, D))
    pre = pre.reshape(2 * N, D)

    src = adj[0]
    dst = adj[1]
    pad = EP - E
    srcp = jnp.concatenate([src, jnp.zeros((pad,), jnp.int32)])
    dstp = jnp.concatenate([dst, jnp.full((pad,), N, jnp.int32)])
    srcs = jnp.stack([2 * srcp, 2 * srcp + 1]).reshape(NC, NS, K, BATCH)
    dsts = dstp.reshape(NS, K, BATCH)
    agg = _make_sc_aggregate()(pre, srcs, dsts)

    colsum = pl.pallas_call(
        _colsum_body,
        grid=(5,),
        in_specs=[pl.BlockSpec((1, 2000, D), lambda i: (0, i, 0))],
        out_specs=pl.BlockSpec((1, D), lambda i: (0, 0)),
        out_shape=jax.ShapeDtypeStruct((1, D), jnp.float32),
    )(agg)

    scores = pl.pallas_call(
        _score_body,
        grid=(2 * N_PAD // 2048,),
        in_specs=[
            pl.BlockSpec((2048, D), lambda i: (i, 0)),
            pl.BlockSpec((1, D), lambda i: (0, 0)),
            pl.BlockSpec((D, D), lambda i: (0, 0)),
            pl.BlockSpec((1, 1), lambda i: (0, 0)),
        ],
        out_specs=pl.BlockSpec((2048, 1), lambda i: (i, 0)),
        out_shape=jax.ShapeDtypeStruct((2 * N_PAD, 1), jnp.float32),
        scratch_shapes=[pltpu.VMEM((1, D), jnp.float32)],
    )(agg.reshape(2 * N_PAD, D), colsum, W_disc, b_disc.reshape(1, 1))

    return scores.reshape(2, N_PAD)[:, :N].reshape(2 * N)

# --- scband reference (transcript-rebuilt; emitter-appended) ---
"""Pipeline reference for scband-dgi-7241314861554 (READ-ONLY COPY).

The authoritative reference and input builder live on the scoring server;
editing this copy changes nothing except your own understanding.
"""

import jax, jax.numpy as jnp
import numpy as np

N = 10000
E = 320000
D = 128


def setup_inputs(seed: int = 0) -> dict:
    key = jax.random.key(seed)
    k1, k2, k3, k4, k5, k6, k7 = jax.random.split(key, 7)
    seq1 = jax.random.normal(k1, (N, D), dtype=jnp.float32)
    seq2 = jax.random.normal(k2, (N, D), dtype=jnp.float32)
    adj = jax.random.randint(k3, (2, E), 0, N, dtype=jnp.int32)
    # learned params: GCN weight/bias, Discriminator bilinear weight/bias
    W_gcn = jax.random.normal(k4, (D, D), dtype=jnp.float32) * (1.0 / np.sqrt(D))
    b_gcn = jnp.zeros((D,), dtype=jnp.float32)
    W_disc = jax.random.normal(k5, (D, D), dtype=jnp.float32) * (1.0 / np.sqrt(D))
    b_disc = jnp.zeros((1,), dtype=jnp.float32)
    return {"seq1": seq1, "seq2": seq2, "adj": adj, "W_gcn": W_gcn, "b_gcn": b_gcn, "W_disc": W_disc, "b_disc": b_disc}


def reference(seq1, seq2, adj, W_gcn, b_gcn, W_disc, b_disc):
    src = adj[0]
    dst = adj[1]

    def gcn(x):
        # GCN_org: aggregate A @ (X W) + b via gather + scatter-add over edges
        pre = x @ W_gcn + b_gcn
        msg = jnp.take(pre, src, axis=0)
        agg = jax.ops.segment_sum(msg, dst, num_segments=N)
        return agg

    def act(h):
        # act_layer(activation, neg_slope=0.25) -> leaky relu with slope 0.25
        return jnp.where(h > 0, h, 0.25 * h)

    h_1 = act(gcn(seq1))
    # AvgReadout: mean over nodes
    c = jnp.mean(h_1, axis=0)
    # sigmoid
    c = jax.nn.sigmoid(c)
    h_2 = act(gcn(seq2))
    # Discriminator: bilinear scores vs summary c for positive (h_1) and negative (h_2)
    wc = W_disc @ c
    sc_1 = h_1 @ wc + b_disc[0]
    sc_2 = h_2 @ wc + b_disc[0]
    ret = jnp.concatenate([sc_1, sc_2], axis=0)
    return ret

if __name__ == "__main__":
    import jax
    _d = setup_inputs()
    print(jax.jit(kernel)(*tuple(_d.values())))

</pallas_src>

<mosaic_0001>
#map = affine_map<(d0, d1) -> (0, 0)>
#map1 = affine_map<(d0, d1) -> (0, 0, 0, 0)>
#map2 = affine_map<(d0, d1) -> (0, 0, 0)>
module attributes {stable_mosaic.version = 14 : i64} {
  func.func @sc_aggregate(%arg0: i32, %arg1: i32, %arg2: memref<20000x128xf32, #tpu.memory_space<hbm>>, %arg3: memref<2x16x160x128xi32, #tpu.memory_space<hbm>>, %arg4: memref<16x160x128xi32, #tpu.memory_space<hbm>>, %arg5: memref<2x10240x128xf32, #tpu.memory_space<hbm>>, %arg6: memref<16x128xi32, #tpu.memory_space<vmem>>, %arg7: memref<16x128xi32, #tpu.memory_space<vmem>>, %arg8: memref<16x128xi32, #tpu.memory_space<vmem>>, %arg9: memref<16x128xi32, #tpu.memory_space<vmem>>, %arg10: memref<128x128xf32, #tpu.memory_space<vmem>>, %arg11: memref<128x128xf32, #tpu.memory_space<vmem>>, %arg12: memref<10240x128xf32, #tpu.memory_space<vmem_shared>>, %arg13: memref<!tpu.dma_semaphore, #tpu.memory_space<semaphore_mem>>, %arg14: memref<!tpu.dma_semaphore, #tpu.memory_space<semaphore_mem>>, %arg15: memref<!tpu.dma_semaphore, #tpu.memory_space<semaphore_mem>>) attributes {dimension_semantics = [#tpu.dimension_semantics<core_parallel>, #tpu.dimension_semantics<subcore_parallel>], iteration_bounds = array<i64: 2, 16>, scalar_prefetch = 0 : i64, scratch_operands = 10 : i64, tpu.core_type = #tpu.core_type<sc_vector_subcore>, window_params = [{transform_indices = #map}, {transform_indices = #map1}, {transform_indices = #map2}, {transform_indices = #map2}]} {
    %dma_start3A = arith.constant 0 : i32
    %dma_start3A_0 = arith.constant 0 : i32
    %dma_start3A_1 = tpu.memref_slice %arg3[%arg0, %arg1, %dma_start3A, %dma_start3A_0] : memref<2x16x160x128xi32, #tpu.memory_space<hbm>> -> memref<1x1x16x128xi32, #tpu.memory_space<hbm>>
    %dma_start3A_2 = tpu.memref_squeeze %dma_start3A_1 : memref<1x1x16x128xi32, #tpu.memory_space<hbm>> -> memref<16x128xi32, #tpu.memory_space<hbm>>
    %dma_start3A_3 = arith.constant 0 : i32
    %dma_start3A_4 = arith.constant 0 : i32
    %dma_start3A_5 = tpu.memref_slice %arg3[%arg0, %arg1, %dma_start3A_3, %dma_start3A_4] : memref<2x16x160x128xi32, #tpu.memory_space<hbm>> -> memref<1x1x16x128xi32, #tpu.memory_space<hbm>>
    %dma_start3A_6 = tpu.memref_squeeze %dma_start3A_5 : memref<1x1x16x128xi32, #tpu.memory_space<hbm>> -> memref<16x128xi32, #tpu.memory_space<hbm>>
    tpu.enqueue_dma source(%dma_start3A_6 : memref<16x128xi32, #tpu.memory_space<hbm>>) target(%arg6 : memref<16x128xi32, #tpu.memory_space<vmem>>) target_semaphore(%arg15 : memref<!tpu.dma_semaphore, #tpu.memory_space<semaphore_mem>>)
    %dma_start3A_7 = arith.constant 0 : i32
    %dma_start3A_8 = arith.constant 0 : i32
    %dma_start3A_9 = tpu.memref_slice %arg4[%arg1, %dma_start3A_7, %dma_start3A_8] : memref<16x160x128xi32, #tpu.memory_space<hbm>> -> memref<1x16x128xi32, #tpu.memory_space<hbm>>
    %dma_start3A_10 = tpu.memref_squeeze %dma_start3A_9 : memref<1x16x128xi32, #tpu.memory_space<hbm>> -> memref<16x128xi32, #tpu.memory_space<hbm>>
    %dma_start3A_11 = arith.constant 0 : i32
    %dma_start3A_12 = arith.constant 0 : i32
    %dma_start3A_13 = tpu.memref_slice %arg4[%arg1, %dma_start3A_11, %dma_start3A_12] : memref<16x160x128xi32, #tpu.memory_space<hbm>> -> memref<1x16x128xi32, #tpu.memory_space<hbm>>
    %dma_start3A_14 = tpu.memref_squeeze %dma_start3A_13 : memref<1x16x128xi32, #tpu.memory_space<hbm>> -> memref<16x128xi32, #tpu.memory_space<hbm>>
    tpu.enqueue_dma source(%dma_start3A_14 : memref<16x128xi32, #tpu.memory_space<hbm>>) target(%arg7 : memref<16x128xi32, #tpu.memory_space<vmem>>) target_semaphore(%arg15 : memref<!tpu.dma_semaphore, #tpu.memory_space<semaphore_mem>>)
    %broadcast_in_dim3A = arith.constant 0.000000e+00 : f32
    %broadcast_in_dim3A_15 = vector.broadcast %broadcast_in_dim3A : f32 to vector<16xf32>
    %scan3A = arith.constant 0 : i32
    %scan3A_16 = arith.constant 0 : i32
    %scan3A_17 = arith.constant 128 : i32
    %scan3A_18 = arith.addi %scan3A_16, %scan3A_17 : i32
    %scan3A_19 = arith.constant 1 : i32
    scf.for %scan3A_95 = %scan3A_16 to %scan3A_18 step %scan3A_19  : i32 {
      %swap3A = arith.constant 0 : i32
      %swap3A_96 = tpu.memref_slice %arg10[%scan3A_95, %swap3A] : memref<128x128xf32, #tpu.memory_space<vmem>> -> memref<1x128xf32, #tpu.memory_space<vmem>>
      %swap3A_97 = tpu.memref_squeeze %swap3A_96 : memref<1x128xf32, #tpu.memory_space<vmem>> -> memref<128xf32, #tpu.memory_space<vmem>>
      %swap3A_98 = arith.constant 0 : index
      %swap3A_99 = tpu.vector_load %swap3A_97[%swap3A_98] {strides = array<i32>} : memref<128xf32, #tpu.memory_space<vmem>>, vector<16xf32>,
      %swap3A_100 = vector.shape_cast %swap3A_99 : vector<16xf32> to vector<16xf32>
      %swap3A_101 = vector.shape_cast %broadcast_in_dim3A_15 : vector<16xf32> to vector<16xf32>
      tpu.vector_store %swap3A_97[%swap3A_98], %swap3A_101 {strides = array<i32>} : memref<128xf32, #tpu.memory_space<vmem>>, vector<16xf32>,
      %swap3A_102 = arith.constant 0 : i32
      %swap3A_103 = tpu.memref_slice %arg10[%scan3A_95, %swap3A_102] : memref<128x128xf32, #tpu.memory_space<vmem>> -> memref<1x128xf32, #tpu.memory_space<vmem>>
      %swap3A_104 = tpu.memref_squeeze %swap3A_103 : memref<1x128xf32, #tpu.memory_space<vmem>> -> memref<128xf32, #tpu.memory_space<vmem>>
      %swap3A_105 = arith.constant 16 : index
      %swap3A_106 = tpu.vector_load %swap3A_104[%swap3A_105] {strides = array<i32>} : memref<128xf32, #tpu.memory_space<vmem>>, vector<16xf32>,
      %swap3A_107 = vector.shape_cast %swap3A_106 : vector<16xf32> to vector<16xf32>
      %swap3A_108 = vector.shape_cast %broadcast_in_dim3A_15 : vector<16xf32> to vector<16xf32>
      tpu.vector_store %swap3A_104[%swap3A_105], %swap3A_108 {strides = array<i32>} : memref<128xf32, #tpu.memory_space<vmem>>, vector<16xf32>,
      %swap3A_109 = arith.constant 0 : i32
      %swap3A_110 = tpu.memref_slice %arg10[%scan3A_95, %swap3A_109] : memref<128x128xf32, #tpu.memory_space<vmem>> -> memref<1x128xf32, #tpu.memory_space<vmem>>
      %swap3A_111 = tpu.memref_squeeze %swap3A_110 : memref<1x128xf32, #tpu.memory_space<vmem>> -> memref<128xf32, #tpu.memory_space<vmem>>
      %swap3A_112 = arith.constant 32 : index
      %swap3A_113 = tpu.vector_load %swap3A_111[%swap3A_112] {strides = array<i32>} : memref<128xf32, #tpu.memory_space<vmem>>, vector<16xf32>,
      %swap3A_114 = vector.shape_cast %swap3A_113 : vector<16xf32> to vector<16xf32>
      %swap3A_115 = vector.shape_cast %broadcast_in_dim3A_15 : vector<16xf32> to vector<16xf32>
      tpu.vector_store %swap3A_111[%swap3A_112], %swap3A_115 {strides = array<i32>} : memref<128xf32, #tpu.memory_space<vmem>>, vector<16xf32>,
      %swap3A_116 = arith.constant 0 : i32
      %swap3A_117 = tpu.memref_slice %arg10[%scan3A_95, %swap3A_116] : memref<128x128xf32, #tpu.memory_space<vmem>> -> memref<1x128xf32, #tpu.memory_space<vmem>>
      %swap3A_118 = tpu.memref_squeeze %swap3A_117 : memref<1x128xf32, #tpu.memory_space<vmem>> -> memref<128xf32, #tpu.memory_space<vmem>>
      %swap3A_119 = arith.constant 48 : index
      %swap3A_120 = tpu.vector_load %swap3A_118[%swap3A_119] {strides = array<i32>} : memref<128xf32, #tpu.memory_space<vmem>>, vector<16xf32>,
      %swap3A_121 = vector.shape_cast %swap3A_120 : vector<16xf32> to vector<16xf32>
      %swap3A_122 = vector.shape_cast %broadcast_in_dim3A_15 : vector<16xf32> to vector<16xf32>
      tpu.vector_store %swap3A_118[%swap3A_119], %swap3A_122 {strides = array<i32>} : memref<128xf32, #tpu.memory_space<vmem>>, vector<16xf32>,
      %swap3A_123 = arith.constant 0 : i32
      %swap3A_124 = tpu.memref_slice %arg10[%scan3A_95, %swap3A_123] : memref<128x128xf32, #tpu.memory_space<vmem>> -> memref<1x128xf32, #tpu.memory_space<vmem>>
      %swap3A_125 = tpu.memref_squeeze %swap3A_124 : memref<1x128xf32, #tpu.memory_space<vmem>> -> memref<128xf32, #tpu.memory_space<vmem>>
      %swap3A_126 = arith.constant 64 : index
      %swap3A_127 = tpu.vector_load %swap3A_125[%swap3A_126] {strides = array<i32>} : memref<128xf32, #tpu.memory_space<vmem>>, vector<16xf32>,
      %swap3A_128 = vector.shape_cast %swap3A_127 : vector<16xf32> to vector<16xf32>
      %swap3A_129 = vector.shape_cast %broadcast_in_dim3A_15 : vector<16xf32> to vector<16xf32>
      tpu.vector_store %swap3A_125[%swap3A_126], %swap3A_129 {strides = array<i32>} : memref<128xf32, #tpu.memory_space<vmem>>, vector<16xf32>,
      %swap3A_130 = arith.constant 0 : i32
      %swap3A_131 = tpu.memref_slice %arg10[%scan3A_95, %swap3A_130] : memref<128x128xf32, #tpu.memory_space<vmem>> -> memref<1x128xf32, #tpu.memory_space<vmem>>
      %swap3A_132 = tpu.memref_squeeze %swap3A_131 : memref<1x128xf32, #tpu.memory_space<vmem>> -> memref<128xf32, #tpu.memory_space<vmem>>
      %swap3A_133 = arith.constant 80 : index
      %swap3A_134 = tpu.vector_load %swap3A_132[%swap3A_133] {strides = array<i32>} : memref<128xf32, #tpu.memory_space<vmem>>, vector<16xf32>,
      %swap3A_135 = vector.shape_cast %swap3A_134 : vector<16xf32> to vector<16xf32>
      %swap3A_136 = vector.shape_cast %broadcast_in_dim3A_15 : vector<16xf32> to vector<16xf32>
      tpu.vector_store %swap3A_132[%swap3A_133], %swap3A_136 {strides = array<i32>} : memref<128xf32, #tpu.memory_space<vmem>>, vector<16xf32>,
      %swap3A_137 = arith.constant 0 : i32
      %swap3A_138 = tpu.memref_slice %arg10[%scan3A_95, %swap3A_137] : memref<128x128xf32, #tpu.memory_space<vmem>> -> memref<1x128xf32, #tpu.memory_space<vmem>>
      %swap3A_139 = tpu.memref_squeeze %swap3A_138 : memref<1x128xf32, #tpu.memory_space<vmem>> -> memref<128xf32, #tpu.memory_space<vmem>>
      %swap3A_140 = arith.constant 96 : index
      %swap3A_141 = tpu.vector_load %swap3A_139[%swap3A_140] {strides = array<i32>} : memref<128xf32, #tpu.memory_space<vmem>>, vector<16xf32>,
      %swap3A_142 = vector.shape_cast %swap3A_141 : vector<16xf32> to vector<16xf32>
      %swap3A_143 = vector.shape_cast %broadcast_in_dim3A_15 : vector<16xf32> to vector<16xf32>
      tpu.vector_store %swap3A_139[%swap3A_140], %swap3A_143 {strides = array<i32>} : memref<128xf32, #tpu.memory_space<vmem>>, vector<16xf32>,
      %swap3A_144 = arith.constant 0 : i32
      %swap3A_145 = tpu.memref_slice %arg10[%scan3A_95, %swap3A_144] : memref<128x128xf32, #tpu.memory_space<vmem>> -> memref<1x128xf32, #tpu.memory_space<vmem>>
      %swap3A_146 = tpu.memref_squeeze %swap3A_145 : memref<1x128xf32, #tpu.memory_space<vmem>> -> memref<128xf32, #tpu.memory_space<vmem>>
      %swap3A_147 = arith.constant 112 : index
      %swap3A_148 = tpu.vector_load %swap3A_146[%swap3A_147] {strides = array<i32>} : memref<128xf32, #tpu.memory_space<vmem>>, vector<16xf32>,
      %swap3A_149 = vector.shape_cast %swap3A_148 : vector<16xf32> to vector<16xf32>
      %swap3A_150 = vector.shape_cast %broadcast_in_dim3A_15 : vector<16xf32> to vector<16xf32>
      tpu.vector_store %swap3A_146[%swap3A_147], %swap3A_150 {strides = array<i32>} : memref<128xf32, #tpu.memory_space<vmem>>, vector<16xf32>,
    }
    %scan3A_20 = arith.constant 128 : i32
    %mul3A = arith.constant 640 : i32
    %mul3A_21 = arith.muli %arg1, %mul3A : i32
    %add3A = arith.constant 0 : i32
    %add3A_22 = arith.addi %mul3A_21, %add3A : i32
    "tpu.region"() ({
      %run_scoped3A = tpu.sem_alloc : memref<!tpu.dma_semaphore, #tpu.memory_space<semaphore_mem>>
      %dma_start3A_95 = arith.constant 0 : i32
      %dma_start3A_96 = tpu.memref_slice %arg12[%add3A_22, %dma_start3A_95] : memref<10240x128xf32, #tpu.memory_space<vmem_shared>> -> memref<128x128xf32, #tpu.memory_space<vmem_shared>>
      %dma_start3A_97 = arith.constant 0 : i32
      %dma_start3A_98 = tpu.memref_slice %arg12[%add3A_22, %dma_start3A_97] : memref<10240x128xf32, #tpu.memory_space<vmem_shared>> -> memref<128x128xf32, #tpu.memory_space<vmem_shared>>
      tpu.enqueue_dma source(%arg10 : memref<128x128xf32, #tpu.memory_space<vmem>>) target(%dma_start3A_98 : memref<128x128xf32, #tpu.memory_space<vmem_shared>>) target_semaphore(%run_scoped3A : memref<!tpu.dma_semaphore, #tpu.memory_space<semaphore_mem>>)
      %dma_wait3A_99 = arith.constant 0 : i32
      %dma_wait3A_100 = tpu.memref_slice %arg12[%add3A_22, %dma_wait3A_99] : memref<10240x128xf32, #tpu.memory_space<vmem_shared>> -> memref<128x128xf32, #tpu.memory_space<vmem_shared>>
      %dma_wait3A_101 = arith.constant 0 : i32
      %dma_wait3A_102 = tpu.memref_slice %arg12[%add3A_22, %dma_wait3A_101] : memref<10240x128xf32, #tpu.memory_space<vmem_shared>> -> memref<128x128xf32, #tpu.memory_space<vmem_shared>>
      tpu.wait_dma2 semaphore(%run_scoped3A : memref<!tpu.dma_semaphore, #tpu.memory_space<semaphore_mem>>) src(%arg10 : memref<128x128xf32, #tpu.memory_space<vmem>>) dst(%dma_wait3A_102 : memref<128x128xf32, #tpu.memory_space<vmem_shared>>)
      tpu.yield
    }) : () -> ()
    %mul3A_23 = arith.constant 640 : i32
    %mul3A_24 = arith.muli %arg1, %mul3A_23 : i32
    %add3A_25 = arith.constant 128 : i32
    %add3A_26 = arith.addi %mul3A_24, %add3A_25 : i32
    "tpu.region"() ({
      %run_scoped3A = tpu.sem_alloc : memref<!tpu.dma_semaphore, #tpu.memory_space<semaphore_mem>>
      %dma_start3A_95 = arith.constant 0 : i32
      %dma_start3A_96 = tpu.memref_slice %arg12[%add3A_26, %dma_start3A_95] : memref<10240x128xf32, #tpu.memory_space<vmem_shared>> -> memref<128x128xf32, #tpu.memory_space<vmem_shared>>
      %dma_start3A_97 = arith.constant 0 : i32
      %dma_start3A_98 = tpu.memref_slice %arg12[%add3A_26, %dma_start3A_97] : memref<10240x128xf32, #tpu.memory_space<vmem_shared>> -> memref<128x128xf32, #tpu.memory_space<vmem_shared>>
      tpu.enqueue_dma source(%arg10 : memref<128x128xf32, #tpu.memory_space<vmem>>) target(%dma_start3A_98 : memref<128x128xf32, #tpu.memory_space<vmem_shared>>) target_semaphore(%run_scoped3A : memref<!tpu.dma_semaphore, #tpu.memory_space<semaphore_mem>>)
      %dma_wait3A_99 = arith.constant 0 : i32
      %dma_wait3A_100 = tpu.memref_slice %arg12[%add3A_26, %dma_wait3A_99] : memref<10240x128xf32, #tpu.memory_space<vmem_shared>> -> memref<128x128xf32, #tpu.memory_space<vmem_shared>>
      %dma_wait3A_101 = arith.constant 0 : i32
      %dma_wait3A_102 = tpu.memref_slice %arg12[%add3A_26, %dma_wait3A_101] : memref<10240x128xf32, #tpu.memory_space<vmem_shared>> -> memref<128x128xf32, #tpu.memory_space<vmem_shared>>
      tpu.wait_dma2 semaphore(%run_scoped3A : memref<!tpu.dma_semaphore, #tpu.memory_space<semaphore_mem>>) src(%arg10 : memref<128x128xf32, #tpu.memory_space<vmem>>) dst(%dma_wait3A_102 : memref<128x128xf32, #tpu.memory_space<vmem_shared>>)
      tpu.yield
    }) : () -> ()
    %mul3A_27 = arith.constant 640 : i32
    %mul3A_28 = arith.muli %arg1, %mul3A_27 : i32
    %add3A_29 = arith.constant 256 : i32
    %add3A_30 = arith.addi %mul3A_28, %add3A_29 : i32
    "tpu.region"() ({
      %run_scoped3A = tpu.sem_alloc : memref<!tpu.dma_semaphore, #tpu.memory_space<semaphore_mem>>
      %dma_start3A_95 = arith.constant 0 : i32
      %dma_start3A_96 = tpu.memref_slice %arg12[%add3A_30, %dma_start3A_95] : memref<10240x128xf32, #tpu.memory_space<vmem_shared>> -> memref<128x128xf32, #tpu.memory_space<vmem_shared>>
      %dma_start3A_97 = arith.constant 0 : i32
      %dma_start3A_98 = tpu.memref_slice %arg12[%add3A_30, %dma_start3A_97] : memref<10240x128xf32, #tpu.memory_space<vmem_shared>> -> memref<128x128xf32, #tpu.memory_space<vmem_shared>>
      tpu.enqueue_dma source(%arg10 : memref<128x128xf32, #tpu.memory_space<vmem>>) target(%dma_start3A_98 : memref<128x128xf32, #tpu.memory_space<vmem_shared>>) target_semaphore(%run_scoped3A : memref<!tpu.dma_semaphore, #tpu.memory_space<semaphore_mem>>)
      %dma_wait3A_99 = arith.constant 0 : i32
      %dma_wait3A_100 = tpu.memref_slice %arg12[%add3A_30, %dma_wait3A_99] : memref<10240x128xf32, #tpu.memory_space<vmem_shared>> -> memref<128x128xf32, #tpu.memory_space<vmem_shared>>
      %dma_wait3A_101 = arith.constant 0 : i32
      %dma_wait3A_102 = tpu.memref_slice %arg12[%add3A_30, %dma_wait3A_101] : memref<10240x128xf32, #tpu.memory_space<vmem_shared>> -> memref<128x128xf32, #tpu.memory_space<vmem_shared>>
      tpu.wait_dma2 semaphore(%run_scoped3A : memref<!tpu.dma_semaphore, #tpu.memory_space<semaphore_mem>>) src(%arg10 : memref<128x128xf32, #tpu.memory_space<vmem>>) dst(%dma_wait3A_102 : memref<128x128xf32, #tpu.memory_space<vmem_shared>>)
      tpu.yield
    }) : () -> ()
    %mul3A_31 = arith.constant 640 : i32
    %mul3A_32 = arith.muli %arg1, %mul3A_31 : i32
    %add3A_33 = arith.constant 384 : i32
    %add3A_34 = arith.addi %mul3A_32, %add3A_33 : i32
    "tpu.region"() ({
      %run_scoped3A = tpu.sem_alloc : memref<!tpu.dma_semaphore, #tpu.memory_space<semaphore_mem>>
      %dma_start3A_95 = arith.constant 0 : i32
      %dma_start3A_96 = tpu.memref_slice %arg12[%add3A_34, %dma_start3A_95] : memref<10240x128xf32, #tpu.memory_space<vmem_shared>> -> memref<128x128xf32, #tpu.memory_space<vmem_shared>>
      %dma_start3A_97 = arith.constant 0 : i32
      %dma_start3A_98 = tpu.memref_slice %arg12[%add3A_34, %dma_start3A_97] : memref<10240x128xf32, #tpu.memory_space<vmem_shared>> -> memref<128x128xf32, #tpu.memory_space<vmem_shared>>
      tpu.enqueue_dma source(%arg10 : memref<128x128xf32, #tpu.memory_space<vmem>>) target(%dma_start3A_98 : memref<128x128xf32, #tpu.memory_space<vmem_shared>>) target_semaphore(%run_scoped3A : memref<!tpu.dma_semaphore, #tpu.memory_space<semaphore_mem>>)
      %dma_wait3A_99 = arith.constant 0 : i32
      %dma_wait3A_100 = tpu.memref_slice %arg12[%add3A_34, %dma_wait3A_99] : memref<10240x128xf32, #tpu.memory_space<vmem_shared>> -> memref<128x128xf32, #tpu.memory_space<vmem_shared>>
      %dma_wait3A_101 = arith.constant 0 : i32
      %dma_wait3A_102 = tpu.memref_slice %arg12[%add3A_34, %dma_wait3A_101] : memref<10240x128xf32, #tpu.memory_space<vmem_shared>> -> memref<128x128xf32, #tpu.memory_space<vmem_shared>>
      tpu.wait_dma2 semaphore(%run_scoped3A : memref<!tpu.dma_semaphore, #tpu.memory_space<semaphore_mem>>) src(%arg10 : memref<128x128xf32, #tpu.memory_space<vmem>>) dst(%dma_wait3A_102 : memref<128x128xf32, #tpu.memory_space<vmem_shared>>)
      tpu.yield
    }) : () -> ()
    %mul3A_35 = arith.constant 640 : i32
    %mul3A_36 = arith.muli %arg1, %mul3A_35 : i32
    %add3A_37 = arith.constant 512 : i32
    %add3A_38 = arith.addi %mul3A_36, %add3A_37 : i32
    "tpu.region"() ({
      %run_scoped3A = tpu.sem_alloc : memref<!tpu.dma_semaphore, #tpu.memory_space<semaphore_mem>>
      %dma_start3A_95 = arith.constant 0 : i32
      %dma_start3A_96 = tpu.memref_slice %arg12[%add3A_38, %dma_start3A_95] : memref<10240x128xf32, #tpu.memory_space<vmem_shared>> -> memref<128x128xf32, #tpu.memory_space<vmem_shared>>
      %dma_start3A_97 = arith.constant 0 : i32
      %dma_start3A_98 = tpu.memref_slice %arg12[%add3A_38, %dma_start3A_97] : memref<10240x128xf32, #tpu.memory_space<vmem_shared>> -> memref<128x128xf32, #tpu.memory_space<vmem_shared>>
      tpu.enqueue_dma source(%arg10 : memref<128x128xf32, #tpu.memory_space<vmem>>) target(%dma_start3A_98 : memref<128x128xf32, #tpu.memory_space<vmem_shared>>) target_semaphore(%run_scoped3A : memref<!tpu.dma_semaphore, #tpu.memory_space<semaphore_mem>>)
      %dma_wait3A_99 = arith.constant 0 : i32
      %dma_wait3A_100 = tpu.memref_slice %arg12[%add3A_38, %dma_wait3A_99] : memref<10240x128xf32, #tpu.memory_space<vmem_shared>> -> memref<128x128xf32, #tpu.memory_space<vmem_shared>>
      %dma_wait3A_101 = arith.constant 0 : i32
      %dma_wait3A_102 = tpu.memref_slice %arg12[%add3A_38, %dma_wait3A_101] : memref<10240x128xf32, #tpu.memory_space<vmem_shared>> -> memref<128x128xf32, #tpu.memory_space<vmem_shared>>
      tpu.wait_dma2 semaphore(%run_scoped3A : memref<!tpu.dma_semaphore, #tpu.memory_space<semaphore_mem>>) src(%arg10 : memref<128x128xf32, #tpu.memory_space<vmem>>) dst(%dma_wait3A_102 : memref<128x128xf32, #tpu.memory_space<vmem_shared>>)
      tpu.yield
    }) : () -> ()
    %barrier3A = arith.constant 0 : index
    tpu.barrier barrier_id(%barrier3A)
    %dma_wait3A = arith.constant 0 : i32
    %dma_wait3A_39 = arith.constant 0 : i32
    %dma_wait3A_40 = tpu.memref_slice %arg3[%arg0, %arg1, %dma_wait3A, %dma_wait3A_39] : memref<2x16x160x128xi32, #tpu.memory_space<hbm>> -> memref<1x1x16x128xi32, #tpu.memory_space<hbm>>
    %dma_wait3A_41 = tpu.memref_squeeze %dma_wait3A_40 : memref<1x1x16x128xi32, #tpu.memory_space<hbm>> -> memref<16x128xi32, #tpu.memory_space<hbm>>
    %dma_wait3A_42 = arith.constant 0 : i32
    %dma_wait3A_43 = arith.constant 0 : i32
    %dma_wait3A_44 = tpu.memref_slice %arg3[%arg0, %arg1, %dma_wait3A_42, %dma_wait3A_43] : memref<2x16x160x128xi32, #tpu.memory_space<hbm>> -> memref<1x1x16x128xi32, #tpu.memory_space<hbm>>
    %dma_wait3A_45 = tpu.memref_squeeze %dma_wait3A_44 : memref<1x1x16x128xi32, #tpu.memory_space<hbm>> -> memref<16x128xi32, #tpu.memory_space<hbm>>
    tpu.wait_dma2 semaphore(%arg15 : memref<!tpu.dma_semaphore, #tpu.memory_space<semaphore_mem>>) src(%dma_wait3A_45 : memref<16x128xi32, #tpu.memory_space<hbm>>) dst(%arg6 : memref<16x128xi32, #tpu.memory_space<vmem>>)
    %dma_wait3A_46 = arith.constant 0 : i32
    %dma_wait3A_47 = arith.constant 0 : i32
    %dma_wait3A_48 = tpu.memref_slice %arg4[%arg1, %dma_wait3A_46, %dma_wait3A_47] : memref<16x160x128xi32, #tpu.memory_space<hbm>> -> memref<1x16x128xi32, #tpu.memory_space<hbm>>
    %dma_wait3A_49 = tpu.memref_squeeze %dma_wait3A_48 : memref<1x16x128xi32, #tpu.memory_space<hbm>> -> memref<16x128xi32, #tpu.memory_space<hbm>>
    %dma_wait3A_50 = arith.constant 0 : i32
    %dma_wait3A_51 = arith.constant 0 : i32
    %dma_wait3A_52 = tpu.memref_slice %arg4[%arg1, %dma_wait3A_50, %dma_wait3A_51] : memref<16x160x128xi32, #tpu.memory_space<hbm>> -> memref<1x16x128xi32, #tpu.memory_space<hbm>>
    %dma_wait3A_53 = tpu.memref_squeeze %dma_wait3A_52 : memref<1x16x128xi32, #tpu.memory_space<hbm>> -> memref<16x128xi32, #tpu.memory_space<hbm>>
    tpu.wait_dma2 semaphore(%arg15 : memref<!tpu.dma_semaphore, #tpu.memory_space<semaphore_mem>>) src(%dma_wait3A_53 : memref<16x128xi32, #tpu.memory_space<hbm>>) dst(%arg7 : memref<16x128xi32, #tpu.memory_space<vmem>>)
    %dma_start3A_54 = arith.constant 16 : i32
    %dma_start3A_55 = arith.constant 0 : i32
    %dma_start3A_56 = tpu.memref_slice %arg3[%arg0, %arg1, %dma_start3A_54, %dma_start3A_55] : memref<2x16x160x128xi32, #tpu.memory_space<hbm>> -> memref<1x1x16x128xi32, #tpu.memory_space<hbm>>
    %dma_start3A_57 = tpu.memref_squeeze %dma_start3A_56 : memref<1x1x16x128xi32, #tpu.memory_space<hbm>> -> memref<16x128xi32, #tpu.memory_space<hbm>>
    %dma_start3A_58 = arith.constant 16 : i32
    %dma_start3A_59 = arith.constant 0 : i32
    %dma_start3A_60 = tpu.memref_slice %arg3[%arg0, %arg1, %dma_start3A_58, %dma_start3A_59] : memref<2x16x160x128xi32, #tpu.memory_space<hbm>> -> memref<1x1x16x128xi32, #tpu.memory_space<hbm>>
    %dma_start3A_61 = tpu.memref_squeeze %dma_start3A_60 : memref<1x1x16x128xi32, #tpu.memory_space<hbm>> -> memref<16x128xi32, #tpu.memory_space<hbm>>
    tpu.enqueue_dma source(%dma_start3A_61 : memref<16x128xi32, #tpu.memory_space<hbm>>) target(%arg8 : memref<16x128xi32, #tpu.memory_space<vmem>>) target_semaphore(%arg15 : memref<!tpu.dma_semaphore, #tpu.memory_space<semaphore_mem>>)
    %dma_start3A_62 = arith.constant 16 : i32
    %dma_start3A_63 = arith.constant 0 : i32
    %dma_start3A_64 = tpu.memref_slice %arg4[%arg1, %dma_start3A_62, %dma_start3A_63] : memref<16x160x128xi32, #tpu.memory_space<hbm>> -> memref<1x16x128xi32, #tpu.memory_space<hbm>>
    %dma_start3A_65 = tpu.memref_squeeze %dma_start3A_64 : memref<1x16x128xi32, #tpu.memory_space<hbm>> -> memref<16x128xi32, #tpu.memory_space<hbm>>
    %dma_start3A_66 = arith.constant 16 : i32
    %dma_start3A_67 = arith.constant 0 : i32
    %dma_start3A_68 = tpu.memref_slice %arg4[%arg1, %dma_start3A_66, %dma_start3A_67] : memref<16x160x128xi32, #tpu.memory_space<hbm>> -> memref<1x16x128xi32, #tpu.memory_space<hbm>>
    %dma_start3A_69 = tpu.memref_squeeze %dma_start3A_68 : memref<1x16x128xi32, #tpu.memory_space<hbm>> -> memref<16x128xi32, #tpu.memory_space<hbm>>
    tpu.enqueue_dma source(%dma_start3A_69 : memref<16x128xi32, #tpu.memory_space<hbm>>) target(%arg9 : memref<16x128xi32, #tpu.memory_space<vmem>>) target_semaphore(%arg15 : memref<!tpu.dma_semaphore, #tpu.memory_space<semaphore_mem>>)
    %dma_start3A_70 = arith.constant 0 : i32
    %dma_start3A_71 = arith.constant 0 : i32
    %dma_start3A_72 = tpu.memref_slice %arg6[%dma_start3A_70, %dma_start3A_71] : memref<16x128xi32, #tpu.memory_space<vmem>> -> memref<1x128xi32, #tpu.memory_space<vmem>>
    %dma_start3A_73 = tpu.memref_squeeze %dma_start3A_72 : memref<1x128xi32, #tpu.memory_space<vmem>> -> memref<128xi32, #tpu.memory_space<vmem>>
    %dma_start3A_74 = arith.constant 0 : i32
    %dma_start3A_75 = arith.constant 0 : i32
    %dma_start3A_76 = tpu.memref_slice %arg2[%dma_start3A_74, %dma_start3A_75] : memref<20000x128xf32, #tpu.memory_space<hbm>> -> memref<20000x128xf32, #tpu.memory_space<hbm>>
    tpu.enqueue_indirect_dma source(%dma_start3A_76 : memref<20000x128xf32, #tpu.memory_space<hbm>>) target(%arg10 : memref<128x128xf32, #tpu.memory_space<vmem>>) offsets(%dma_start3A_73 : memref<128xi32, #tpu.memory_space<vmem>>) semaphore(%arg13 : memref<!tpu.dma_semaphore, #tpu.memory_space<semaphore_mem>>)
    %dma_start3A_77 = arith.constant 1 : i32
    %dma_start3A_78 = arith.constant 0 : i32
    %dma_start3A_79 = tpu.memref_slice %arg6[%dma_start3A_77, %dma_start3A_78] : memref<16x128xi32, #tpu.memory_space<vmem>> -> memref<1x128xi32, #tpu.memory_space<vmem>>
    %dma_start3A_80 = tpu.memref_squeeze %dma_start3A_79 : memref<1x128xi32, #tpu.memory_space<vmem>> -> memref<128xi32, #tpu.memory_space<vmem>>
    %dma_start3A_81 = arith.constant 0 : i32
    %dma_start3A_82 = arith.constant 0 : i32
    %dma_start3A_83 = tpu.memref_slice %arg2[%dma_start3A_81, %dma_start3A_82] : memref<20000x128xf32, #tpu.memory_space<hbm>> -> memref<20000x128xf32, #tpu.memory_space<hbm>>
    tpu.enqueue_indirect_dma source(%dma_start3A_83 : memref<20000x128xf32, #tpu.memory_space<hbm>>) target(%arg11 : memref<128x128xf32, #tpu.memory_space<vmem>>) offsets(%dma_start3A_80 : memref<128xi32, #tpu.memory_space<vmem>>) semaphore(%arg14 : memref<!tpu.dma_semaphore, #tpu.memory_space<semaphore_mem>>)
    %scan3A_84 = arith.constant 0 : i32
    %scan3A_85 = arith.constant 0 : i32
    %scan3A_86 = arith.constant 5 : i32
    %scan3A_87 = arith.addi %scan3A_85, %scan3A_86 : i32
    %scan3A_88 = arith.constant 1 : i32
    scf.for %scan3A_95 = %scan3A_85 to %scan3A_87 step %scan3A_88  : i32 {
      %mul3A_96 = arith.constant 2 : i32
      %mul3A_97 = arith.muli %mul3A_96, %scan3A_95 : i32
      %scan3A_98 = arith.constant 0 : i32
      %scan3A_99 = arith.constant 0 : i32
      %scan3A_100 = arith.constant 8 : i32
      %scan3A_101 = arith.addi %scan3A_99, %scan3A_100 : i32
      %scan3A_102 = arith.constant 1 : i32
      scf.for %scan3A_125 = %scan3A_99 to %scan3A_101 step %scan3A_102  : i32 {
        %mul3A_126 = arith.constant 2 : i32
        %mul3A_127 = arith.muli %mul3A_126, %scan3A_125 : i32
        %dma_wait3A_128 = arith.constant 0 : i32
        %dma_wait3A_129 = tpu.memref_slice %arg6[%mul3A_127, %dma_wait3A_128] : memref<16x128xi32, #tpu.memory_space<vmem>> -> memref<1x128xi32, #tpu.memory_space<vmem>>
        %dma_wait3A_130 = tpu.memref_squeeze %dma_wait3A_129 : memref<1x128xi32, #tpu.memory_space<vmem>> -> memref<128xi32, #tpu.memory_space<vmem>>
        %dma_wait3A_131 = arith.constant 0 : i32
        %dma_wait3A_132 = arith.constant 0 : i32
        %dma_wait3A_133 = tpu.memref_slice %arg2[%dma_wait3A_131, %dma_wait3A_132] : memref<20000x128xf32, #tpu.memory_space<hbm>> -> memref<20000x128xf32, #tpu.memory_space<hbm>>
        tpu.wait_indirect_dma semaphore(%arg13 : memref<!tpu.dma_semaphore, #tpu.memory_space<semaphore_mem>>) src(%dma_wait3A_133 : memref<20000x128xf32, #tpu.memory_space<hbm>>) dst(%arg10 : memref<128x128xf32, #tpu.memory_space<vmem>>)
        "tpu.region"() ({
          %run_scoped3A = tpu.sem_alloc : memref<!tpu.dma_semaphore, #tpu.memory_space<semaphore_mem>>
          %dma_start3A_180 = arith.constant 0 : i32
          %dma_start3A_181 = tpu.memref_slice %arg7[%mul3A_127, %dma_start3A_180] : memref<16x128xi32, #tpu.memory_space<vmem>> -> memref<1x128xi32, #tpu.memory_space<vmem>>
          %dma_start3A_182 = tpu.memref_squeeze %dma_start3A_181 : memref<1x128xi32, #tpu.memory_space<vmem>> -> memref<128xi32, #tpu.memory_space<vmem>>
          %dma_start3A_183 = arith.constant 0 : i32
          %dma_start3A_184 = arith.constant 0 : i32
          %dma_start3A_185 = tpu.memref_slice %arg12[%dma_start3A_183, %dma_start3A_184] : memref<10240x128xf32, #tpu.memory_space<vmem_shared>> -> memref<10240x128xf32, #tpu.memory_space<vmem_shared>>
          tpu.enqueue_indirect_dma source(%arg10 : memref<128x128xf32, #tpu.memory_space<vmem>>) target(%dma_start3A_185 : memref<10240x128xf32, #tpu.memory_space<vmem_shared>>) offsets(%dma_start3A_182 : memref<128xi32, #tpu.memory_space<vmem>>) semaphore(%run_scoped3A : memref<!tpu.dma_semaphore, #tpu.memory_space<semaphore_mem>>) {add = true}
          %dma_wait3A_186 = arith.constant 0 : i32
          %dma_wait3A_187 = tpu.memref_slice %arg7[%mul3A_127, %dma_wait3A_186] : memref<16x128xi32, #tpu.memory_space<vmem>> -> memref<1x128xi32, #tpu.memory_space<vmem>>
          %dma_wait3A_188 = tpu.memref_squeeze %dma_wait3A_187 : memref<1x128xi32, #tpu.memory_space<vmem>> -> memref<128xi32, #tpu.memory_space<vmem>>
          %dma_wait3A_189 = arith.constant 0 : i32
          %dma_wait3A_190 = arith.constant 0 : i32
          %dma_wait3A_191 = tpu.memref_slice %arg12[%dma_wait3A_189, %dma_wait3A_190] : memref<10240x128xf32, #tpu.memory_space<vmem_shared>> -> memref<10240x128xf32, #tpu.memory_space<vmem_shared>>
          tpu.wait_indirect_dma semaphore(%run_scoped3A : memref<!tpu.dma_semaphore, #tpu.memory_space<semaphore_mem>>) src(%arg10 : memref<128x128xf32, #tpu.memory_space<vmem>>) dst(%dma_wait3A_191 : memref<10240x128xf32, #tpu.memory_space<vmem_shared>>)
          tpu.yield
        }) : () -> ()
        %add3A_134 = arith.constant 2 : i32
        %add3A_135 = arith.addi %mul3A_127, %add3A_134 : i32
        %lt3A_136 = arith.constant 16 : i32
        %lt3A_137 = arith.cmpi slt, %add3A_135, %lt3A_136 : i32
        %convert_element_type3A_138 = arith.extui %lt3A_137 : i1 to i32
        %cond3A_139 = arith.constant 0 : i32
        %cond3A_140 = arith.cmpi ne, %convert_element_type3A_138, %cond3A_139 : i32
        scf.if %cond3A_140 {
          %add3A_180 = arith.constant 2 : i32
          %add3A_181 = arith.addi %mul3A_127, %add3A_180 : i32
          %dma_start3A_182 = arith.constant 0 : i32
          %dma_start3A_183 = tpu.memref_slice %arg6[%add3A_181, %dma_start3A_182] : memref<16x128xi32, #tpu.memory_space<vmem>> -> memref<1x128xi32, #tpu.memory_space<vmem>>
          %dma_start3A_184 = tpu.memref_squeeze %dma_start3A_183 : memref<1x128xi32, #tpu.memory_space<vmem>> -> memref<128xi32, #tpu.memory_space<vmem>>
          %dma_start3A_185 = arith.constant 0 : i32
          %dma_start3A_186 = arith.constant 0 : i32
          %dma_start3A_187 = tpu.memref_slice %arg2[%dma_start3A_185, %dma_start3A_186] : memref<20000x128xf32, #tpu.memory_space<hbm>> -> memref<20000x128xf32, #tpu.memory_space<hbm>>
          tpu.enqueue_indirect_dma source(%dma_start3A_187 : memref<20000x128xf32, #tpu.memory_space<hbm>>) target(%arg10 : memref<128x128xf32, #tpu.memory_space<vmem>>) offsets(%dma_start3A_184 : memref<128xi32, #tpu.memory_space<vmem>>) semaphore(%arg13 : memref<!tpu.dma_semaphore, #tpu.memory_space<semaphore_mem>>)
        } else {
        }
        %add3A_141 = arith.constant 2 : i32
        %add3A_142 = arith.addi %mul3A_127, %add3A_141 : i32
        %ge3A = arith.constant 16 : i32
        %ge3A_143 = arith.cmpi sge, %add3A_142, %ge3A : i32
        %add3A_144 = arith.constant 1 : i32
        %add3A_145 = arith.addi %mul3A_97, %add3A_144 : i32
        %lt3A_146 = arith.constant 10 : i32
        %lt3A_147 = arith.cmpi slt, %add3A_145, %lt3A_146 : i32
        %and3A = arith.andi %ge3A_143, %lt3A_147 : i1
        %convert_element_type3A_148 = arith.extui %and3A : i1 to i32
        %cond3A_149 = arith.constant 0 : i32
        %cond3A_150 = arith.cmpi ne, %convert_element_type3A_148, %cond3A_149 : i32
        scf.if %cond3A_150 {
          %add3A_180 = arith.constant 1 : i32
          %add3A_181 = arith.addi %mul3A_97, %add3A_180 : i32
          %mul3A_182 = arith.constant 16 : i32
          %mul3A_183 = arith.muli %add3A_181, %mul3A_182 : i32
          %dma_wait3A_184 = arith.constant 0 : i32
          %dma_wait3A_185 = tpu.memref_slice %arg3[%arg0, %arg1, %mul3A_183, %dma_wait3A_184] : memref<2x16x160x128xi32, #tpu.memory_space<hbm>> -> memref<1x1x16x128xi32, #tpu.memory_space<hbm>>
          %dma_wait3A_186 = tpu.memref_squeeze %dma_wait3A_185 : memref<1x1x16x128xi32, #tpu.memory_space<hbm>> -> memref<16x128xi32, #tpu.memory_space<hbm>>
          %dma_wait3A_187 = arith.constant 0 : i32
          %dma_wait3A_188 = tpu.memref_slice %arg3[%arg0, %arg1, %mul3A_183, %dma_wait3A_187] : memref<2x16x160x128xi32, #tpu.memory_space<hbm>> -> memref<1x1x16x128xi32, #tpu.memory_space<hbm>>
          %dma_wait3A_189 = tpu.memref_squeeze %dma_wait3A_188 : memref<1x1x16x128xi32, #tpu.memory_space<hbm>> -> memref<16x128xi32, #tpu.memory_space<hbm>>
          tpu.wait_dma2 semaphore(%arg15 : memref<!tpu.dma_semaphore, #tpu.memory_space<semaphore_mem>>) src(%dma_wait3A_189 : memref<16x128xi32, #tpu.memory_space<hbm>>) dst(%arg8 : memref<16x128xi32, #tpu.memory_space<vmem>>)
          %mul3A_190 = arith.constant 16 : i32
          %mul3A_191 = arith.muli %add3A_181, %mul3A_190 : i32
          %dma_wait3A_192 = arith.constant 0 : i32
          %dma_wait3A_193 = tpu.memref_slice %arg4[%arg1, %mul3A_191, %dma_wait3A_192] : memref<16x160x128xi32, #tpu.memory_space<hbm>> -> memref<1x16x128xi32, #tpu.memory_space<hbm>>
          %dma_wait3A_194 = tpu.memref_squeeze %dma_wait3A_193 : memref<1x16x128xi32, #tpu.memory_space<hbm>> -> memref<16x128xi32, #tpu.memory_space<hbm>>
          %dma_wait3A_195 = arith.constant 0 : i32
          %dma_wait3A_196 = tpu.memref_slice %arg4[%arg1, %mul3A_191, %dma_wait3A_195] : memref<16x160x128xi32, #tpu.memory_space<hbm>> -> memref<1x16x128xi32, #tpu.memory_space<hbm>>
          %dma_wait3A_197 = tpu.memref_squeeze %dma_wait3A_196 : memref<1x16x128xi32, #tpu.memory_space<hbm>> -> memref<16x128xi32, #tpu.memory_space<hbm>>
          tpu.wait_dma2 semaphore(%arg15 : memref<!tpu.dma_semaphore, #tpu.memory_space<semaphore_mem>>) src(%dma_wait3A_197 : memref<16x128xi32, #tpu.memory_space<hbm>>) dst(%arg9 : memref<16x128xi32, #tpu.memory_space<vmem>>)
          %dma_start3A_198 = arith.constant 0 : i32
          %dma_start3A_199 = arith.constant 0 : i32
          %dma_start3A_200 = tpu.memref_slice %arg8[%dma_start3A_198, %dma_start3A_199] : memref<16x128xi32, #tpu.memory_space<vmem>> -> memref<1x128xi32, #tpu.memory_space<vmem>>
          %dma_start3A_201 = tpu.memref_squeeze %dma_start3A_200 : memref<1x128xi32, #tpu.memory_space<vmem>> -> memref<128xi32, #tpu.memory_space<vmem>>
          %dma_start3A_202 = arith.constant 0 : i32
          %dma_start3A_203 = arith.constant 0 : i32
          %dma_start3A_204 = tpu.memref_slice %arg2[%dma_start3A_202, %dma_start3A_203] : memref<20000x128xf32, #tpu.memory_space<hbm>> -> memref<20000x128xf32, #tpu.memory_space<hbm>>
          tpu.enqueue_indirect_dma source(%dma_start3A_204 : memref<20000x128xf32, #tpu.memory_space<hbm>>) target(%arg10 : memref<128x128xf32, #tpu.memory_space<vmem>>) offsets(%dma_start3A_201 : memref<128xi32, #tpu.memory_space<vmem>>) semaphore(%arg13 : memref<!tpu.dma_semaphore, #tpu.memory_space<semaphore_mem>>)
        } else {
        }
        %add3A_151 = arith.constant 1 : i32
        %add3A_152 = arith.addi %mul3A_127, %add3A_151 : i32
        %dma_wait3A_153 = arith.constant 0 : i32
        %dma_wait3A_154 = tpu.memref_slice %arg6[%add3A_152, %dma_wait3A_153] : memref<16x128xi32, #tpu.memory_space<vmem>> -> memref<1x128xi32, #tpu.memory_space<vmem>>
        %dma_wait3A_155 = tpu.memref_squeeze %dma_wait3A_154 : memref<1x128xi32, #tpu.memory_space<vmem>> -> memref<128xi32, #tpu.memory_space<vmem>>
        %dma_wait3A_156 = arith.constant 0 : i32
        %dma_wait3A_157 = arith.constant 0 : i32
        %dma_wait3A_158 = tpu.memref_slice %arg2[%dma_wait3A_156, %dma_wait3A_157] : memref<20000x128xf32, #tpu.memory_space<hbm>> -> memref<20000x128xf32, #tpu.memory_space<hbm>>
        tpu.wait_indirect_dma semaphore(%arg14 : memref<!tpu.dma_semaphore, #tpu.memory_space<semaphore_mem>>) src(%dma_wait3A_158 : memref<20000x128xf32, #tpu.memory_space<hbm>>) dst(%arg11 : memref<128x128xf32, #tpu.memory_space<vmem>>)
        %add3A_159 = arith.constant 1 : i32
        %add3A_160 = arith.addi %mul3A_127, %add3A_159 : i32
        "tpu.region"() ({
          %run_scoped3A = tpu.sem_alloc : memref<!tpu.dma_semaphore, #tpu.memory_space<semaphore_mem>>
          %dma_start3A_180 = arith.constant 0 : i32
          %dma_start3A_181 = tpu.memref_slice %arg7[%add3A_160, %dma_start3A_180] : memref<16x128xi32, #tpu.memory_space<vmem>> -> memref<1x128xi32, #tpu.memory_space<vmem>>
          %dma_start3A_182 = tpu.memref_squeeze %dma_start3A_181 : memref<1x128xi32, #tpu.memory_space<vmem>> -> memref<128xi32, #tpu.memory_space<vmem>>
          %dma_start3A_183 = arith.constant 0 : i32
          %dma_start3A_184 = arith.constant 0 : i32
          %dma_start3A_185 = tpu.memref_slice %arg12[%dma_start3A_183, %dma_start3A_184] : memref<10240x128xf32, #tpu.memory_space<vmem_shared>> -> memref<10240x128xf32, #tpu.memory_space<vmem_shared>>
          tpu.enqueue_indirect_dma source(%arg11 : memref<128x128xf32, #tpu.memory_space<vmem>>) target(%dma_start3A_185 : memref<10240x128xf32, #tpu.memory_space<vmem_shared>>) offsets(%dma_start3A_182 : memref<128xi32, #tpu.memory_space<vmem>>) semaphore(%run_scoped3A : memref<!tpu.dma_semaphore, #tpu.memory_space<semaphore_mem>>) {add = true}
          %dma_wait3A_186 = arith.constant 0 : i32
          %dma_wait3A_187 = tpu.memref_slice %arg7[%add3A_160, %dma_wait3A_186] : memref<16x128xi32, #tpu.memory_space<vmem>> -> memref<1x128xi32, #tpu.memory_space<vmem>>
          %dma_wait3A_188 = tpu.memref_squeeze %dma_wait3A_187 : memref<1x128xi32, #tpu.memory_space<vmem>> -> memref<128xi32, #tpu.memory_space<vmem>>
          %dma_wait3A_189 = arith.constant 0 : i32
          %dma_wait3A_190 = arith.constant 0 : i32
          %dma_wait3A_191 = tpu.memref_slice %arg12[%dma_wait3A_189, %dma_wait3A_190] : memref<10240x128xf32, #tpu.memory_space<vmem_shared>> -> memref<10240x128xf32, #tpu.memory_space<vmem_shared>>
          tpu.wait_indirect_dma semaphore(%run_scoped3A : memref<!tpu.dma_semaphore, #tpu.memory_space<semaphore_mem>>) src(%arg11 : memref<128x128xf32, #tpu.memory_space<vmem>>) dst(%dma_wait3A_191 : memref<10240x128xf32, #tpu.memory_space<vmem_shared>>)
          tpu.yield
        }) : () -> ()
        %add3A_161 = arith.constant 3 : i32
        %add3A_162 = arith.addi %mul3A_127, %add3A_161 : i32
        %lt3A_163 = arith.constant 16 : i32
        %lt3A_164 = arith.cmpi slt, %add3A_162, %lt3A_163 : i32
        %convert_element_type3A_165 = arith.extui %lt3A_164 : i1 to i32
        %cond3A_166 = arith.constant 0 : i32
        %cond3A_167 = arith.cmpi ne, %convert_element_type3A_165, %cond3A_166 : i32
        scf.if %cond3A_167 {
          %add3A_180 = arith.constant 3 : i32
          %add3A_181 = arith.addi %mul3A_127, %add3A_180 : i32
          %dma_start3A_182 = arith.constant 0 : i32
          %dma_start3A_183 = tpu.memref_slice %arg6[%add3A_181, %dma_start3A_182] : memref<16x128xi32, #tpu.memory_space<vmem>> -> memref<1x128xi32, #tpu.memory_space<vmem>>
          %dma_start3A_184 = tpu.memref_squeeze %dma_start3A_183 : memref<1x128xi32, #tpu.memory_space<vmem>> -> memref<128xi32, #tpu.memory_space<vmem>>
          %dma_start3A_185 = arith.constant 0 : i32
          %dma_start3A_186 = arith.constant 0 : i32
          %dma_start3A_187 = tpu.memref_slice %arg2[%dma_start3A_185, %dma_start3A_186] : memref<20000x128xf32, #tpu.memory_space<hbm>> -> memref<20000x128xf32, #tpu.memory_space<hbm>>
          tpu.enqueue_indirect_dma source(%dma_start3A_187 : memref<20000x128xf32, #tpu.memory_space<hbm>>) target(%arg11 : memref<128x128xf32, #tpu.memory_space<vmem>>) offsets(%dma_start3A_184 : memref<128xi32, #tpu.memory_space<vmem>>) semaphore(%arg14 : memref<!tpu.dma_semaphore, #tpu.memory_space<semaphore_mem>>)
        } else {
        }
        %add3A_168 = arith.constant 3 : i32
        %add3A_169 = arith.addi %mul3A_127, %add3A_168 : i32
        %ge3A_170 = arith.constant 16 : i32
        %ge3A_171 = arith.cmpi sge, %add3A_169, %ge3A_170 : i32
        %add3A_172 = arith.constant 1 : i32
        %add3A_173 = arith.addi %mul3A_97, %add3A_172 : i32
        %lt3A_174 = arith.constant 10 : i32
        %lt3A_175 = arith.cmpi slt, %add3A_173, %lt3A_174 : i32
        %and3A_176 = arith.andi %ge3A_171, %lt3A_175 : i1
        %convert_element_type3A_177 = arith.extui %and3A_176 : i1 to i32
        %cond3A_178 = arith.constant 0 : i32
        %cond3A_179 = arith.cmpi ne, %convert_element_type3A_177, %cond3A_178 : i32
        scf.if %cond3A_179 {
          %dma_start3A_180 = arith.constant 1 : i32
          %dma_start3A_181 = arith.constant 0 : i32
          %dma_start3A_182 = tpu.memref_slice %arg8[%dma_start3A_180, %dma_start3A_181] : memref<16x128xi32, #tpu.memory_space<vmem>> -> memref<1x128xi32, #tpu.memory_space<vmem>>
          %dma_start3A_183 = tpu.memref_squeeze %dma_start3A_182 : memref<1x128xi32, #tpu.memory_space<vmem>> -> memref<128xi32, #tpu.memory_space<vmem>>
          %dma_start3A_184 = arith.constant 0 : i32
          %dma_start3A_185 = arith.constant 0 : i32
          %dma_start3A_186 = tpu.memref_slice %arg2[%dma_start3A_184, %dma_start3A_185] : memref<20000x128xf32, #tpu.memory_space<hbm>> -> memref<20000x128xf32, #tpu.memory_space<hbm>>
          tpu.enqueue_indirect_dma source(%dma_start3A_186 : memref<20000x128xf32, #tpu.memory_space<hbm>>) target(%arg11 : memref<128x128xf32, #tpu.memory_space<vmem>>) offsets(%dma_start3A_183 : memref<128xi32, #tpu.memory_space<vmem>>) semaphore(%arg14 : memref<!tpu.dma_semaphore, #tpu.memory_space<semaphore_mem>>)
        } else {
        }
      }
      %scan3A_103 = arith.constant 8 : i32
      %add3A_104 = arith.constant 2 : i32
      %add3A_105 = arith.addi %mul3A_97, %add3A_104 : i32
      %lt3A = arith.constant 10 : i32
      %lt3A_106 = arith.cmpi slt, %add3A_105, %lt3A : i32
      %convert_element_type3A = arith.extui %lt3A_106 : i1 to i32
      %cond3A = arith.constant 0 : i32
      %cond3A_107 = arith.cmpi ne, %convert_element_type3A, %cond3A : i32
      scf.if %cond3A_107 {
        %add3A_125 = arith.constant 2 : i32
        %add3A_126 = arith.addi %mul3A_97, %add3A_125 : i32
        %mul3A_127 = arith.constant 16 : i32
        %mul3A_128 = arith.muli %add3A_126, %mul3A_127 : i32
        %dma_start3A_129 = arith.constant 0 : i32
        %dma_start3A_130 = tpu.memref_slice %arg3[%arg0, %arg1, %mul3A_128, %dma_start3A_129] : memref<2x16x160x128xi32, #tpu.memory_space<hbm>> -> memref<1x1x16x128xi32, #tpu.memory_space<hbm>>
        %dma_start3A_131 = tpu.memref_squeeze %dma_start3A_130 : memref<1x1x16x128xi32, #tpu.memory_space<hbm>> -> memref<16x128xi32, #tpu.memory_space<hbm>>
        %dma_start3A_132 = arith.constant 0 : i32
        %dma_start3A_133 = tpu.memref_slice %arg3[%arg0, %arg1, %mul3A_128, %dma_start3A_132] : memref<2x16x160x128xi32, #tpu.memory_space<hbm>> -> memref<1x1x16x128xi32, #tpu.memory_space<hbm>>
        %dma_start3A_134 = tpu.memref_squeeze %dma_start3A_133 : memref<1x1x16x128xi32, #tpu.memory_space<hbm>> -> memref<16x128xi32, #tpu.memory_space<hbm>>
        tpu.enqueue_dma source(%dma_start3A_134 : memref<16x128xi32, #tpu.memory_space<hbm>>) target(%arg6 : memref<16x128xi32, #tpu.memory_space<vmem>>) target_semaphore(%arg15 : memref<!tpu.dma_semaphore, #tpu.memory_space<semaphore_mem>>)
        %mul3A_135 = arith.constant 16 : i32
        %mul3A_136 = arith.muli %add3A_126, %mul3A_135 : i32
        %dma_start3A_137 = arith.constant 0 : i32
        %dma_start3A_138 = tpu.memref_slice %arg4[%arg1, %mul3A_136, %dma_start3A_137] : memref<16x160x128xi32, #tpu.memory_space<hbm>> -> memref<1x16x128xi32, #tpu.memory_space<hbm>>
        %dma_start3A_139 = tpu.memref_squeeze %dma_start3A_138 : memref<1x16x128xi32, #tpu.memory_space<hbm>> -> memref<16x128xi32, #tpu.memory_space<hbm>>
        %dma_start3A_140 = arith.constant 0 : i32
        %dma_start3A_141 = tpu.memref_slice %arg4[%arg1, %mul3A_136, %dma_start3A_140] : memref<16x160x128xi32, #tpu.memory_space<hbm>> -> memref<1x16x128xi32, #tpu.memory_space<hbm>>
        %dma_start3A_142 = tpu.memref_squeeze %dma_start3A_141 : memref<1x16x128xi32, #tpu.memory_space<hbm>> -> memref<16x128xi32, #tpu.memory_space<hbm>>
        tpu.enqueue_dma source(%dma_start3A_142 : memref<16x128xi32, #tpu.memory_space<hbm>>) target(%arg7 : memref<16x128xi32, #tpu.memory_space<vmem>>) target_semaphore(%arg15 : memref<!tpu.dma_semaphore, #tpu.memory_space<semaphore_mem>>)
      } else {
      }
      %mul3A_108 = arith.constant 2 : i32
      %mul3A_109 = arith.muli %mul3A_108, %scan3A_95 : i32
      %add3A_110 = arith.constant 1 : i32
      %add3A_111 = arith.addi %mul3A_109, %add3A_110 : i32
      %scan3A_112 = arith.constant 0 : i32
      %scan3A_113 = arith.constant 0 : i32
      %scan3A_114 = arith.constant 8 : i32
      %scan3A_115 = arith.addi %scan3A_113, %scan3A_114 : i32
      %scan3A_116 = arith.constant 1 : i32
      scf.for %scan3A_125 = %scan3A_113 to %scan3A_115 step %scan3A_116  : i32 {
        %mul3A_126 = arith.constant 2 : i32
        %mul3A_127 = arith.muli %mul3A_126, %scan3A_125 : i32
        %dma_wait3A_128 = arith.constant 0 : i32
        %dma_wait3A_129 = tpu.memref_slice %arg8[%mul3A_127, %dma_wait3A_128] : memref<16x128xi32, #tpu.memory_space<vmem>> -> memref<1x128xi32, #tpu.memory_space<vmem>>
        %dma_wait3A_130 = tpu.memref_squeeze %dma_wait3A_129 : memref<1x128xi32, #tpu.memory_space<vmem>> -> memref<128xi32, #tpu.memory_space<vmem>>
        %dma_wait3A_131 = arith.constant 0 : i32
        %dma_wait3A_132 = arith.constant 0 : i32
        %dma_wait3A_133 = tpu.memref_slice %arg2[%dma_wait3A_131, %dma_wait3A_132] : memref<20000x128xf32, #tpu.memory_space<hbm>> -> memref<20000x128xf32, #tpu.memory_space<hbm>>
        tpu.wait_indirect_dma semaphore(%arg13 : memref<!tpu.dma_semaphore, #tpu.memory_space<semaphore_mem>>) src(%dma_wait3A_133 : memref<20000x128xf32, #tpu.memory_space<hbm>>) dst(%arg10 : memref<128x128xf32, #tpu.memory_space<vmem>>)
        "tpu.region"() ({
          %run_scoped3A = tpu.sem_alloc : memref<!tpu.dma_semaphore, #tpu.memory_space<semaphore_mem>>
          %dma_start3A_180 = arith.constant 0 : i32
          %dma_start3A_181 = tpu.memref_slice %arg9[%mul3A_127, %dma_start3A_180] : memref<16x128xi32, #tpu.memory_space<vmem>> -> memref<1x128xi32, #tpu.memory_space<vmem>>
          %dma_start3A_182 = tpu.memref_squeeze %dma_start3A_181 : memref<1x128xi32, #tpu.memory_space<vmem>> -> memref<128xi32, #tpu.memory_space<vmem>>
          %dma_start3A_183 = arith.constant 0 : i32
          %dma_start3A_184 = arith.constant 0 : i32
          %dma_start3A_185 = tpu.memref_slice %arg12[%dma_start3A_183, %dma_start3A_184] : memref<10240x128xf32, #tpu.memory_space<vmem_shared>> -> memref<10240x128xf32, #tpu.memory_space<vmem_shared>>
          tpu.enqueue_indirect_dma source(%arg10 : memref<128x128xf32, #tpu.memory_space<vmem>>) target(%dma_start3A_185 : memref<10240x128xf32, #tpu.memory_space<vmem_shared>>) offsets(%dma_start3A_182 : memref<128xi32, #tpu.memory_space<vmem>>) semaphore(%run_scoped3A : memref<!tpu.dma_semaphore, #tpu.memory_space<semaphore_mem>>) {add = true}
          %dma_wait3A_186 = arith.constant 0 : i32
          %dma_wait3A_187 = tpu.memref_slice %arg9[%mul3A_127, %dma_wait3A_186] : memref<16x128xi32, #tpu.memory_space<vmem>> -> memref<1x128xi32, #tpu.memory_space<vmem>>
          %dma_wait3A_188 = tpu.memref_squeeze %dma_wait3A_187 : memref<1x128xi32, #tpu.memory_space<vmem>> -> memref<128xi32, #tpu.memory_space<vmem>>
          %dma_wait3A_189 = arith.constant 0 : i32
          %dma_wait3A_190 = arith.constant 0 : i32
          %dma_wait3A_191 = tpu.memref_slice %arg12[%dma_wait3A_189, %dma_wait3A_190] : memref<10240x128xf32, #tpu.memory_space<vmem_shared>> -> memref<10240x128xf32, #tpu.memory_space<vmem_shared>>
          tpu.wait_indirect_dma semaphore(%run_scoped3A : memref<!tpu.dma_semaphore, #tpu.memory_space<semaphore_mem>>) src(%arg10 : memref<128x128xf32, #tpu.memory_space<vmem>>) dst(%dma_wait3A_191 : memref<10240x128xf32, #tpu.memory_space<vmem_shared>>)
          tpu.yield
        }) : () -> ()
        %add3A_134 = arith.constant 2 : i32
        %add3A_135 = arith.addi %mul3A_127, %add3A_134 : i32
        %lt3A_136 = arith.constant 16 : i32
        %lt3A_137 = arith.cmpi slt, %add3A_135, %lt3A_136 : i32
        %convert_element_type3A_138 = arith.extui %lt3A_137 : i1 to i32
        %cond3A_139 = arith.constant 0 : i32
        %cond3A_140 = arith.cmpi ne, %convert_element_type3A_138, %cond3A_139 : i32
        scf.if %cond3A_140 {
          %add3A_180 = arith.constant 2 : i32
          %add3A_181 = arith.addi %mul3A_127, %add3A_180 : i32
          %dma_start3A_182 = arith.constant 0 : i32
          %dma_start3A_183 = tpu.memref_slice %arg8[%add3A_181, %dma_start3A_182] : memref<16x128xi32, #tpu.memory_space<vmem>> -> memref<1x128xi32, #tpu.memory_space<vmem>>
          %dma_start3A_184 = tpu.memref_squeeze %dma_start3A_183 : memref<1x128xi32, #tpu.memory_space<vmem>> -> memref<128xi32, #tpu.memory_space<vmem>>
          %dma_start3A_185 = arith.constant 0 : i32
          %dma_start3A_186 = arith.constant 0 : i32
          %dma_start3A_187 = tpu.memref_slice %arg2[%dma_start3A_185, %dma_start3A_186] : memref<20000x128xf32, #tpu.memory_space<hbm>> -> memref<20000x128xf32, #tpu.memory_space<hbm>>
          tpu.enqueue_indirect_dma source(%dma_start3A_187 : memref<20000x128xf32, #tpu.memory_space<hbm>>) target(%arg10 : memref<128x128xf32, #tpu.memory_space<vmem>>) offsets(%dma_start3A_184 : memref<128xi32, #tpu.memory_space<vmem>>) semaphore(%arg13 : memref<!tpu.dma_semaphore, #tpu.memory_space<semaphore_mem>>)
        } else {
        }
        %add3A_141 = arith.constant 2 : i32
        %add3A_142 = arith.addi %mul3A_127, %add3A_141 : i32
        %ge3A = arith.constant 16 : i32
        %ge3A_143 = arith.cmpi sge, %add3A_142, %ge3A : i32
        %add3A_144 = arith.constant 1 : i32
        %add3A_145 = arith.addi %add3A_111, %add3A_144 : i32
        %lt3A_146 = arith.constant 10 : i32
        %lt3A_147 = arith.cmpi slt, %add3A_145, %lt3A_146 : i32
        %and3A = arith.andi %ge3A_143, %lt3A_147 : i1
        %convert_element_type3A_148 = arith.extui %and3A : i1 to i32
        %cond3A_149 = arith.constant 0 : i32
        %cond3A_150 = arith.cmpi ne, %convert_element_type3A_148, %cond3A_149 : i32
        scf.if %cond3A_150 {
          %add3A_180 = arith.constant 1 : i32
          %add3A_181 = arith.addi %add3A_111, %add3A_180 : i32
          %mul3A_182 = arith.constant 16 : i32
          %mul3A_183 = arith.muli %add3A_181, %mul3A_182 : i32
          %dma_wait3A_184 = arith.constant 0 : i32
          %dma_wait3A_185 = tpu.memref_slice %arg3[%arg0, %arg1, %mul3A_183, %dma_wait3A_184] : memref<2x16x160x128xi32, #tpu.memory_space<hbm>> -> memref<1x1x16x128xi32, #tpu.memory_space<hbm>>
          %dma_wait3A_186 = tpu.memref_squeeze %dma_wait3A_185 : memref<1x1x16x128xi32, #tpu.memory_space<hbm>> -> memref<16x128xi32, #tpu.memory_space<hbm>>
          %dma_wait3A_187 = arith.constant 0 : i32
          %dma_wait3A_188 = tpu.memref_slice %arg3[%arg0, %arg1, %mul3A_183, %dma_wait3A_187] : memref<2x16x160x128xi32, #tpu.memory_space<hbm>> -> memref<1x1x16x128xi32, #tpu.memory_space<hbm>>
          %dma_wait3A_189 = tpu.memref_squeeze %dma_wait3A_188 : memref<1x1x16x128xi32, #tpu.memory_space<hbm>> -> memref<16x128xi32, #tpu.memory_space<hbm>>
          tpu.wait_dma2 semaphore(%arg15 : memref<!tpu.dma_semaphore, #tpu.memory_space<semaphore_mem>>) src(%dma_wait3A_189 : memref<16x128xi32, #tpu.memory_space<hbm>>) dst(%arg6 : memref<16x128xi32, #tpu.memory_space<vmem>>)
          %mul3A_190 = arith.constant 16 : i32
          %mul3A_191 = arith.muli %add3A_181, %mul3A_190 : i32
          %dma_wait3A_192 = arith.constant 0 : i32
          %dma_wait3A_193 = tpu.memref_slice %arg4[%arg1, %mul3A_191, %dma_wait3A_192] : memref<16x160x128xi32, #tpu.memory_space<hbm>> -> memref<1x16x128xi32, #tpu.memory_space<hbm>>
          %dma_wait3A_194 = tpu.memref_squeeze %dma_wait3A_193 : memref<1x16x128xi32, #tpu.memory_space<hbm>> -> memref<16x128xi32, #tpu.memory_space<hbm>>
          %dma_wait3A_195 = arith.constant 0 : i32
          %dma_wait3A_196 = tpu.memref_slice %arg4[%arg1, %mul3A_191, %dma_wait3A_195] : memref<16x160x128xi32, #tpu.memory_space<hbm>> -> memref<1x16x128xi32, #tpu.memory_space<hbm>>
          %dma_wait3A_197 = tpu.memref_squeeze %dma_wait3A_196 : memref<1x16x128xi32, #tpu.memory_space<hbm>> -> memref<16x128xi32, #tpu.memory_space<hbm>>
          tpu.wait_dma2 semaphore(%arg15 : memref<!tpu.dma_semaphore, #tpu.memory_space<semaphore_mem>>) src(%dma_wait3A_197 : memref<16x128xi32, #tpu.memory_space<hbm>>) dst(%arg7 : memref<16x128xi32, #tpu.memory_space<vmem>>)
          %dma_start3A_198 = arith.constant 0 : i32
          %dma_start3A_199 = arith.constant 0 : i32
          %dma_start3A_200 = tpu.memref_slice %arg6[%dma_start3A_198, %dma_start3A_199] : memref<16x128xi32, #tpu.memory_space<vmem>> -> memref<1x128xi32, #tpu.memory_space<vmem>>
          %dma_start3A_201 = tpu.memref_squeeze %dma_start3A_200 : memref<1x128xi32, #tpu.memory_space<vmem>> -> memref<128xi32, #tpu.memory_space<vmem>>
          %dma_start3A_202 = arith.constant 0 : i32
          %dma_start3A_203 = arith.constant 0 : i32
          %dma_start3A_204 = tpu.memref_slice %arg2[%dma_start3A_202, %dma_start3A_203] : memref<20000x128xf32, #tpu.memory_space<hbm>> -> memref<20000x128xf32, #tpu.memory_space<hbm>>
          tpu.enqueue_indirect_dma source(%dma_start3A_204 : memref<20000x128xf32, #tpu.memory_space<hbm>>) target(%arg10 : memref<128x128xf32, #tpu.memory_space<vmem>>) offsets(%dma_start3A_201 : memref<128xi32, #tpu.memory_space<vmem>>) semaphore(%arg13 : memref<!tpu.dma_semaphore, #tpu.memory_space<semaphore_mem>>)
        } else {
        }
        %add3A_151 = arith.constant 1 : i32
        %add3A_152 = arith.addi %mul3A_127, %add3A_151 : i32
        %dma_wait3A_153 = arith.constant 0 : i32
        %dma_wait3A_154 = tpu.memref_slice %arg8[%add3A_152, %dma_wait3A_153] : memref<16x128xi32, #tpu.memory_space<vmem>> -> memref<1x128xi32, #tpu.memory_space<vmem>>
        %dma_wait3A_155 = tpu.memref_squeeze %dma_wait3A_154 : memref<1x128xi32, #tpu.memory_space<vmem>> -> memref<128xi32, #tpu.memory_space<vmem>>
        %dma_wait3A_156 = arith.constant 0 : i32
        %dma_wait3A_157 = arith.constant 0 : i32
        %dma_wait3A_158 = tpu.memref_slice %arg2[%dma_wait3A_156, %dma_wait3A_157] : memref<20000x128xf32, #tpu.memory_space<hbm>> -> memref<20000x128xf32, #tpu.memory_space<hbm>>
        tpu.wait_indirect_dma semaphore(%arg14 : memref<!tpu.dma_semaphore, #tpu.memory_space<semaphore_mem>>) src(%dma_wait3A_158 : memref<20000x128xf32, #tpu.memory_space<hbm>>) dst(%arg11 : memref<128x128xf32, #tpu.memory_space<vmem>>)
        %add3A_159 = arith.constant 1 : i32
        %add3A_160 = arith.addi %mul3A_127, %add3A_159 : i32
        "tpu.region"() ({
          %run_scoped3A = tpu.sem_alloc : memref<!tpu.dma_semaphore, #tpu.memory_space<semaphore_mem>>
          %dma_start3A_180 = arith.constant 0 : i32
          %dma_start3A_181 = tpu.memref_slice %arg9[%add3A_160, %dma_start3A_180] : memref<16x128xi32, #tpu.memory_space<vmem>> -> memref<1x128xi32, #tpu.memory_space<vmem>>
          %dma_start3A_182 = tpu.memref_squeeze %dma_start3A_181 : memref<1x128xi32, #tpu.memory_space<vmem>> -> memref<128xi32, #tpu.memory_space<vmem>>
          %dma_start3A_183 = arith.constant 0 : i32
          %dma_start3A_184 = arith.constant 0 : i32
          %dma_start3A_185 = tpu.memref_slice %arg12[%dma_start3A_183, %dma_start3A_184] : memref<10240x128xf32, #tpu.memory_space<vmem_shared>> -> memref<10240x128xf32, #tpu.memory_space<vmem_shared>>
          tpu.enqueue_indirect_dma source(%arg11 : memref<128x128xf32, #tpu.memory_space<vmem>>) target(%dma_start3A_185 : memref<10240x128xf32, #tpu.memory_space<vmem_shared>>) offsets(%dma_start3A_182 : memref<128xi32, #tpu.memory_space<vmem>>) semaphore(%run_scoped3A : memref<!tpu.dma_semaphore, #tpu.memory_space<semaphore_mem>>) {add = true}
          %dma_wait3A_186 = arith.constant 0 : i32
          %dma_wait3A_187 = tpu.memref_slice %arg9[%add3A_160, %dma_wait3A_186] : memref<16x128xi32, #tpu.memory_space<vmem>> -> memref<1x128xi32, #tpu.memory_space<vmem>>
          %dma_wait3A_188 = tpu.memref_squeeze %dma_wait3A_187 : memref<1x128xi32, #tpu.memory_space<vmem>> -> memref<128xi32, #tpu.memory_space<vmem>>
          %dma_wait3A_189 = arith.constant 0 : i32
          %dma_wait3A_190 = arith.constant 0 : i32
          %dma_wait3A_191 = tpu.memref_slice %arg12[%dma_wait3A_189, %dma_wait3A_190] : memref<10240x128xf32, #tpu.memory_space<vmem_shared>> -> memref<10240x128xf32, #tpu.memory_space<vmem_shared>>
          tpu.wait_indirect_dma semaphore(%run_scoped3A : memref<!tpu.dma_semaphore, #tpu.memory_space<semaphore_mem>>) src(%arg11 : memref<128x128xf32, #tpu.memory_space<vmem>>) dst(%dma_wait3A_191 : memref<10240x128xf32, #tpu.memory_space<vmem_shared>>)
          tpu.yield
        }) : () -> ()
        %add3A_161 = arith.constant 3 : i32
        %add3A_162 = arith.addi %mul3A_127, %add3A_161 : i32
        %lt3A_163 = arith.constant 16 : i32
        %lt3A_164 = arith.cmpi slt, %add3A_162, %lt3A_163 : i32
        %convert_element_type3A_165 = arith.extui %lt3A_164 : i1 to i32
        %cond3A_166 = arith.constant 0 : i32
        %cond3A_167 = arith.cmpi ne, %convert_element_type3A_165, %cond3A_166 : i32
        scf.if %cond3A_167 {
          %add3A_180 = arith.constant 3 : i32
          %add3A_181 = arith.addi %mul3A_127, %add3A_180 : i32
          %dma_start3A_182 = arith.constant 0 : i32
          %dma_start3A_183 = tpu.memref_slice %arg8[%add3A_181, %dma_start3A_182] : memref<16x128xi32, #tpu.memory_space<vmem>> -> memref<1x128xi32, #tpu.memory_space<vmem>>
          %dma_start3A_184 = tpu.memref_squeeze %dma_start3A_183 : memref<1x128xi32, #tpu.memory_space<vmem>> -> memref<128xi32, #tpu.memory_space<vmem>>
          %dma_start3A_185 = arith.constant 0 : i32
          %dma_start3A_186 = arith.constant 0 : i32
          %dma_start3A_187 = tpu.memref_slice %arg2[%dma_start3A_185, %dma_start3A_186] : memref<20000x128xf32, #tpu.memory_space<hbm>> -> memref<20000x128xf32, #tpu.memory_space<hbm>>
          tpu.enqueue_indirect_dma source(%dma_start3A_187 : memref<20000x128xf32, #tpu.memory_space<hbm>>) target(%arg11 : memref<128x128xf32, #tpu.memory_space<vmem>>) offsets(%dma_start3A_184 : memref<128xi32, #tpu.memory_space<vmem>>) semaphore(%arg14 : memref<!tpu.dma_semaphore, #tpu.memory_space<semaphore_mem>>)
        } else {
        }
        %add3A_168 = arith.constant 3 : i32
        %add3A_169 = arith.addi %mul3A_127, %add3A_168 : i32
        %ge3A_170 = arith.constant 16 : i32
        %ge3A_171 = arith.cmpi sge, %add3A_169, %ge3A_170 : i32
        %add3A_172 = arith.constant 1 : i32
        %add3A_173 = arith.addi %add3A_111, %add3A_172 : i32
        %lt3A_174 = arith.constant 10 : i32
        %lt3A_175 = arith.cmpi slt, %add3A_173, %lt3A_174 : i32
        %and3A_176 = arith.andi %ge3A_171, %lt3A_175 : i1
        %convert_element_type3A_177 = arith.extui %and3A_176 : i1 to i32
        %cond3A_178 = arith.constant 0 : i32
        %cond3A_179 = arith.cmpi ne, %convert_element_type3A_177, %cond3A_178 : i32
        scf.if %cond3A_179 {
          %dma_start3A_180 = arith.constant 1 : i32
          %dma_start3A_181 = arith.constant 0 : i32
          %dma_start3A_182 = tpu.memref_slice %arg6[%dma_start3A_180, %dma_start3A_181] : memref<16x128xi32, #tpu.memory_space<vmem>> -> memref<1x128xi32, #tpu.memory_space<vmem>>
          %dma_start3A_183 = tpu.memref_squeeze %dma_start3A_182 : memref<1x128xi32, #tpu.memory_space<vmem>> -> memref<128xi32, #tpu.memory_space<vmem>>
          %dma_start3A_184 = arith.constant 0 : i32
          %dma_start3A_185 = arith.constant 0 : i32
          %dma_start3A_186 = tpu.memref_slice %arg2[%dma_start3A_184, %dma_start3A_185] : memref<20000x128xf32, #tpu.memory_space<hbm>> -> memref<20000x128xf32, #tpu.memory_space<hbm>>
          tpu.enqueue_indirect_dma source(%dma_start3A_186 : memref<20000x128xf32, #tpu.memory_space<hbm>>) target(%arg11 : memref<128x128xf32, #tpu.memory_space<vmem>>) offsets(%dma_start3A_183 : memref<128xi32, #tpu.memory_space<vmem>>) semaphore(%arg14 : memref<!tpu.dma_semaphore, #tpu.memory_space<semaphore_mem>>)
        } else {
        }
      }
      %scan3A_117 = arith.constant 8 : i32
      %add3A_118 = arith.constant 2 : i32
      %add3A_119 = arith.addi %add3A_111, %add3A_118 : i32
      %lt3A_120 = arith.constant 10 : i32
      %lt3A_121 = arith.cmpi slt, %add3A_119, %lt3A_120 : i32
      %convert_element_type3A_122 = arith.extui %lt3A_121 : i1 to i32
      %cond3A_123 = arith.constant 0 : i32
      %cond3A_124 = arith.cmpi ne, %convert_element_type3A_122, %cond3A_123 : i32
      scf.if %cond3A_124 {
        %add3A_125 = arith.constant 2 : i32
        %add3A_126 = arith.addi %add3A_111, %add3A_125 : i32
        %mul3A_127 = arith.constant 16 : i32
        %mul3A_128 = arith.muli %add3A_126, %mul3A_127 : i32
        %dma_start3A_129 = arith.constant 0 : i32
        %dma_start3A_130 = tpu.memref_slice %arg3[%arg0, %arg1, %mul3A_128, %dma_start3A_129] : memref<2x16x160x128xi32, #tpu.memory_space<hbm>> -> memref<1x1x16x128xi32, #tpu.memory_space<hbm>>
        %dma_start3A_131 = tpu.memref_squeeze %dma_start3A_130 : memref<1x1x16x128xi32, #tpu.memory_space<hbm>> -> memref<16x128xi32, #tpu.memory_space<hbm>>
        %dma_start3A_132 = arith.constant 0 : i32
        %dma_start3A_133 = tpu.memref_slice %arg3[%arg0, %arg1, %mul3A_128, %dma_start3A_132] : memref<2x16x160x128xi32, #tpu.memory_space<hbm>> -> memref<1x1x16x128xi32, #tpu.memory_space<hbm>>
        %dma_start3A_134 = tpu.memref_squeeze %dma_start3A_133 : memref<1x1x16x128xi32, #tpu.memory_space<hbm>> -> memref<16x128xi32, #tpu.memory_space<hbm>>
        tpu.enqueue_dma source(%dma_start3A_134 : memref<16x128xi32, #tpu.memory_space<hbm>>) target(%arg8 : memref<16x128xi32, #tpu.memory_space<vmem>>) target_semaphore(%arg15 : memref<!tpu.dma_semaphore, #tpu.memory_space<semaphore_mem>>)
        %mul3A_135 = arith.constant 16 : i32
        %mul3A_136 = arith.muli %add3A_126, %mul3A_135 : i32
        %dma_start3A_137 = arith.constant 0 : i32
        %dma_start3A_138 = tpu.memref_slice %arg4[%arg1, %mul3A_136, %dma_start3A_137] : memref<16x160x128xi32, #tpu.memory_space<hbm>> -> memref<1x16x128xi32, #tpu.memory_space<hbm>>
        %dma_start3A_139 = tpu.memref_squeeze %dma_start3A_138 : memref<1x16x128xi32, #tpu.memory_space<hbm>> -> memref<16x128xi32, #tpu.memory_space<hbm>>
        %dma_start3A_140 = arith.constant 0 : i32
        %dma_start3A_141 = tpu.memref_slice %arg4[%arg1, %mul3A_136, %dma_start3A_140] : memref<16x160x128xi32, #tpu.memory_space<hbm>> -> memref<1x16x128xi32, #tpu.memory_space<hbm>>
        %dma_start3A_142 = tpu.memref_squeeze %dma_start3A_141 : memref<1x16x128xi32, #tpu.memory_space<hbm>> -> memref<16x128xi32, #tpu.memory_space<hbm>>
        tpu.enqueue_dma source(%dma_start3A_142 : memref<16x128xi32, #tpu.memory_space<hbm>>) target(%arg9 : memref<16x128xi32, #tpu.memory_space<vmem>>) target_semaphore(%arg15 : memref<!tpu.dma_semaphore, #tpu.memory_space<semaphore_mem>>)
      } else {
      }
    }
    %scan3A_89 = arith.constant 5 : i32
    %barrier3A_90 = arith.constant 0 : index
    tpu.barrier barrier_id(%barrier3A_90)
    %mul3A_91 = arith.constant 640 : i32
    %mul3A_92 = arith.muli %arg1, %mul3A_91 : i32
    %mul3A_93 = arith.constant 640 : i32
    %mul3A_94 = arith.muli %arg1, %mul3A_93 : i32
    "tpu.region"() ({
      %run_scoped3A = tpu.sem_alloc : memref<!tpu.dma_semaphore, #tpu.memory_space<semaphore_mem>>
      %dma_start3A_95 = arith.constant 0 : i32
      %dma_start3A_96 = tpu.memref_slice %arg5[%arg0, %mul3A_94, %dma_start3A_95] : memref<2x10240x128xf32, #tpu.memory_space<hbm>> -> memref<1x640x128xf32, #tpu.memory_space<hbm>>
      %dma_start3A_97 = tpu.memref_squeeze %dma_start3A_96 : memref<1x640x128xf32, #tpu.memory_space<hbm>> -> memref<640x128xf32, #tpu.memory_space<hbm>>
      %dma_start3A_98 = arith.constant 0 : i32
      %dma_start3A_99 = tpu.memref_slice %arg12[%mul3A_92, %dma_start3A_98] : memref<10240x128xf32, #tpu.memory_space<vmem_shared>> -> memref<640x128xf32, #tpu.memory_space<vmem_shared>>
      tpu.enqueue_dma source(%dma_start3A_99 : memref<640x128xf32, #tpu.memory_space<vmem_shared>>) target(%dma_start3A_97 : memref<640x128xf32, #tpu.memory_space<hbm>>) target_semaphore(%run_scoped3A : memref<!tpu.dma_semaphore, #tpu.memory_space<semaphore_mem>>)
      %dma_wait3A_100 = arith.constant 0 : i32
      %dma_wait3A_101 = tpu.memref_slice %arg5[%arg0, %mul3A_94, %dma_wait3A_100] : memref<2x10240x128xf32, #tpu.memory_space<hbm>> -> memref<1x640x128xf32, #tpu.memory_space<hbm>>
      %dma_wait3A_102 = tpu.memref_squeeze %dma_wait3A_101 : memref<1x640x128xf32, #tpu.memory_space<hbm>> -> memref<640x128xf32, #tpu.memory_space<hbm>>
      %dma_wait3A_103 = arith.constant 0 : i32
      %dma_wait3A_104 = tpu.memref_slice %arg12[%mul3A_92, %dma_wait3A_103] : memref<10240x128xf32, #tpu.memory_space<vmem_shared>> -> memref<640x128xf32, #tpu.memory_space<vmem_shared>>
      tpu.wait_dma2 semaphore(%run_scoped3A : memref<!tpu.dma_semaphore, #tpu.memory_space<semaphore_mem>>) src(%dma_wait3A_104 : memref<640x128xf32, #tpu.memory_space<vmem_shared>>) dst(%dma_wait3A_102 : memref<640x128xf32, #tpu.memory_space<hbm>>)
      tpu.yield
    }) : () -> ()
    return
  }
}

module attributes {stable_mosaic.version = 14 : i64} {
  func.func @_mm_body(%arg0: i32, %arg1: i32, %arg2: memref<2000x128xf32, #tpu.memory_space<vmem>>, %arg3: memref<2000x128xf32, #tpu.memory_space<vmem>>, %arg4: memref<128x128xf32, #tpu.memory_space<vmem>>, %arg5: memref<1x128xf32, #tpu.memory_space<vmem>>, %arg6: memref<2000x128xf32, #tpu.memory_space<vmem>>) attributes {dimension_semantics = [#tpu.dimension_semantics<arbitrary>, #tpu.dimension_semantics<arbitrary>], iteration_bounds = array<i64: 2, 5>, scalar_prefetch = 0 : i64, scratch_operands = 0 : i64, tpu.core_type = #tpu.core_type<tc>, window_params = [{transform_indices = @transform_0, window_bounds = array<i64: 2000, 128>}, {transform_indices = @transform_1, window_bounds = array<i64: 2000, 128>}, {pipeline_mode = #tpu.pipeline_mode<synchronous>, transform_indices = @transform_2, window_bounds = array<i64: 128, 128>}, {pipeline_mode = #tpu.pipeline_mode<synchronous>, transform_indices = @transform_3, window_bounds = array<i64: 1, 128>}, {transform_indices = @transform_4, window_bounds = array<i64: 2000, 128>}]} {
    %eq3A = arith.constant 0 : i32
    %eq3A_0 = arith.cmpi eq, %arg0, %eq3A : i32
    %get3A = arith.constant 0 : index
    %get3A_1 = arith.constant 0 : index
    %get3A_2 = vector.load %arg2[%get3A, %get3A_1] : memref<2000x128xf32, #tpu.memory_space<vmem>>, vector<2000x128xf32>
    %get3A_3 = arith.constant 0 : index
    %get3A_4 = arith.constant 0 : index
    %get3A_5 = vector.load %arg3[%get3A_3, %get3A_4] : memref<2000x128xf32, #tpu.memory_space<vmem>>, vector<2000x128xf32>
    %select_n3A = arith.select %eq3A_0, %get3A_2, %get3A_5 : vector<2000x128xf32>
    %get3A_6 = arith.constant 0 : index
    %get3A_7 = arith.constant 0 : index
    %get3A_8 = vector.load %arg4[%get3A_6, %get3A_7] : memref<128x128xf32, #tpu.memory_space<vmem>>, vector<128x128xf32>
    %dot_general3A = arith.constant dense<0.000000e+00> : vector<2000x128xf32>
    %dot_general3A_9 = tpu.matmul %select_n3A, %get3A_8, %dot_general3A {dimension_numbers = #tpu.dot_dimension_numbers<[1], [0], [0], [1], [0, 0, 1, 1], [], []>, transpose_lhs_hint = false} : vector<2000x128xf32>, vector<128x128xf32>, vector<2000x128xf32> -> vector<2000x128xf32>
    %get3A_10 = arith.constant 0 : index
    %get3A_11 = arith.constant 0 : index
    %get3A_12 = vector.load %arg5[%get3A_10, %get3A_11] : memref<1x128xf32, #tpu.memory_space<vmem>>, vector<1x128xf32>
    %add3A = vector.broadcast %get3A_12 : vector<1x128xf32> to vector<2000x128xf32>
    %add3A_13 = arith.addf %dot_general3A_9, %add3A : vector<2000x128xf32>
    %swap3A = arith.constant 0 : index
    %swap3A_14 = arith.constant 0 : index
    %swap3A_15 = vector.load %arg6[%swap3A, %swap3A_14] : memref<2000x128xf32, #tpu.memory_space<vmem>>, vector<2000x128xf32>
    tpu.vector_store %arg6[%swap3A, %swap3A_14], %add3A_13 {strides = array<i32>} : memref<2000x128xf32, #tpu.memory_space<vmem>>, vector<2000x128xf32>,
    return
  }
  func.func @transform_0(%arg0: i32, %arg1: i32) -> (i32, i32) {
    %c0_i32 = arith.constant 0 : i32
    %c0_i32_0 = arith.constant 0 : i32
    return %arg1, %c0_i32 : i32, i32
  }
  func.func @transform_1(%arg0: i32, %arg1: i32) -> (i32, i32) {
    %c0_i32 = arith.constant 0 : i32
    %c0_i32_0 = arith.constant 0 : i32
    return %arg1, %c0_i32 : i32, i32
  }
  func.func @transform_2(%arg0: i32, %arg1: i32) -> (i32, i32) {
    %c0_i32 = arith.constant 0 : i32
    %c0_i32_0 = arith.constant 0 : i32
    %c0_i32_1 = arith.constant 0 : i32
    return %c0_i32, %c0_i32_0 : i32, i32
  }
  func.func @transform_3(%arg0: i32, %arg1: i32) -> (i32, i32) {
    %c0_i32 = arith.constant 0 : i32
    %c0_i32_0 = arith.constant 0 : i32
    %c0_i32_1 = arith.constant 0 : i32
    return %c0_i32, %c0_i32_0 : i32, i32
  }
  func.func @transform_4(%arg0: i32, %arg1: i32) -> (i32, i32) {
    %c0_i32 = arith.constant 0 : i32
    return %arg1, %arg0 : i32, i32
  }
}

module attributes {stable_mosaic.version = 14 : i64} {
  func.func @_colsum_body(%arg0: i32, %arg1: memref<1x2000x128xf32, #tpu.memory_space<vmem>>, %arg2: memref<1x128xf32, #tpu.memory_space<vmem>>) attributes {dimension_semantics = [#tpu.dimension_semantics<arbitrary>], iteration_bounds = array<i64: 5>, scalar_prefetch = 0 : i64, scratch_operands = 0 : i64, tpu.core_type = #tpu.core_type<tc>, window_params = [{transform_indices = @transform_0, window_bounds = array<i64: 1, 2000, 128>}, {pipeline_mode = #tpu.pipeline_mode<synchronous>, transform_indices = @transform_1, window_bounds = array<i64: 1, 128>}]} {
    %eq3A = arith.constant 0 : i32
    %eq3A_0 = arith.cmpi eq, %arg0, %eq3A : i32
    %convert_element_type3A = arith.extui %eq3A_0 : i1 to i32
    %cond3A = arith.constant 0 : i32
    %cond3A_1 = arith.cmpi ne, %convert_element_type3A, %cond3A : i32
    scf.if %cond3A_1 {
      %broadcast_in_dim3A_16 = arith.constant 0.000000e+00 : f32
      %broadcast_in_dim3A_17 = vector.broadcast %broadcast_in_dim3A_16 : f32 to vector<1x128xf32>
      %swap3A_18 = arith.constant 0 : index
      %swap3A_19 = arith.constant 0 : index
      %swap3A_20 = vector.load %arg2[%swap3A_18, %swap3A_19] : memref<1x128xf32, #tpu.memory_space<vmem>>, vector<1x128xf32>
      tpu.vector_store %arg2[%swap3A_18, %swap3A_19], %broadcast_in_dim3A_17 {strides = array<i32>} : memref<1x128xf32, #tpu.memory_space<vmem>>, vector<1x128xf32>,
    } else {
    }
    %get3A = arith.constant 0 : index
    %get3A_2 = arith.constant 0 : index
    %get3A_3 = arith.constant 0 : index
    %get3A_4 = vector.load %arg1[%get3A, %get3A_2, %get3A_3] : memref<1x2000x128xf32, #tpu.memory_space<vmem>>, vector<1x2000x128xf32>
    %get3A_5 = vector.shape_cast %get3A_4 : vector<1x2000x128xf32> to vector<2000x128xf32>
    %gt3A = arith.constant 0.000000e+00 : f32
    %gt3A_6 = vector.broadcast %gt3A : f32 to vector<2000x128xf32>
    %gt3A_7 = arith.cmpf ogt, %get3A_5, %gt3A_6 : vector<2000x128xf32>
    %mul3A = arith.constant 2.500000e-01 : f32
    %mul3A_8 = vector.broadcast %mul3A : f32 to vector<2000x128xf32>
    %mul3A_9 = arith.mulf %mul3A_8, %get3A_5 : vector<2000x128xf32>
    %select_n3A = arith.select %gt3A_7, %get3A_5, %mul3A_9 : vector<2000x128xi1>, vector<2000x128xf32>
    %get3A_10 = arith.constant 0 : index
    %get3A_11 = arith.constant 0 : index
    %get3A_12 = vector.load %arg2[%get3A_10, %get3A_11] : memref<1x128xf32, #tpu.memory_space<vmem>>, vector<1x128xf32>
    %reduce_sum3A = arith.constant dense<0.000000e+00> : vector<128xf32>
    %reduce_sum3A_13 = vector.multi_reduction <add>, %select_n3A, %reduce_sum3A [0] : vector<2000x128xf32> to vector<128xf32>
    %broadcast_in_dim3A = vector.shape_cast %reduce_sum3A_13 : vector<128xf32> to vector<1x128xf32>
    %add3A = arith.addf %get3A_12, %broadcast_in_dim3A : vector<1x128xf32>
    %swap3A = arith.constant 0 : index
    %swap3A_14 = arith.constant 0 : index
    %swap3A_15 = vector.load %arg2[%swap3A, %swap3A_14] : memref<1x128xf32, #tpu.memory_space<vmem>>, vector<1x128xf32>
    tpu.vector_store %arg2[%swap3A, %swap3A_14], %add3A {strides = array<i32>} : memref<1x128xf32, #tpu.memory_space<vmem>>, vector<1x128xf32>,
    return
  }
  func.func @transform_0(%arg0: i32) -> (i32, i32, i32) {
    %c0_i32 = arith.constant 0 : i32
    %c0_i32_0 = arith.constant 0 : i32
    %c0_i32_1 = arith.constant 0 : i32
    return %c0_i32, %arg0, %c0_i32_0 : i32, i32, i32
  }
  func.func @transform_1(%arg0: i32) -> (i32, i32) {
    %c0_i32 = arith.constant 0 : i32
    %c0_i32_0 = arith.constant 0 : i32
    %c0_i32_1 = arith.constant 0 : i32
    return %c0_i32, %c0_i32_0 : i32, i32
  }
}

module attributes {stable_mosaic.version = 14 : i64} {
  func.func @_score_body(%arg0: i32, %arg1: memref<2048x128xf32, #tpu.memory_space<vmem>>, %arg2: memref<1x128xf32, #tpu.memory_space<vmem>>, %arg3: memref<128x128xf32, #tpu.memory_space<vmem>>, %arg4: memref<1x1xf32, #tpu.memory_space<vmem>>, %arg5: memref<2048x1xf32, #tpu.memory_space<vmem>>, %arg6: memref<1x128xf32, #tpu.memory_space<vmem>>) attributes {dimension_semantics = [#tpu.dimension_semantics<arbitrary>], iteration_bounds = array<i64: 10>, scalar_prefetch = 0 : i64, scratch_operands = 1 : i64, tpu.core_type = #tpu.core_type<tc>, window_params = [{transform_indices = @transform_0, window_bounds = array<i64: 2048, 128>}, {pipeline_mode = #tpu.pipeline_mode<synchronous>, transform_indices = @transform_1, window_bounds = array<i64: 1, 128>}, {pipeline_mode = #tpu.pipeline_mode<synchronous>, transform_indices = @transform_2, window_bounds = array<i64: 128, 128>}, {pipeline_mode = #tpu.pipeline_mode<synchronous>, transform_indices = @transform_3, window_bounds = array<i64: 1, 1>}, {transform_indices = @transform_4, window_bounds = array<i64: 2048, 1>}]} {
    %eq3A = arith.constant 0 : i32
    %eq3A_0 = arith.cmpi eq, %arg0, %eq3A : i32
    %convert_element_type3A = arith.extui %eq3A_0 : i1 to i32
    %cond3A = arith.constant 0 : i32
    %cond3A_1 = arith.cmpi ne, %convert_element_type3A, %cond3A : i32
    scf.if %cond3A_1 {
      %get3A_20 = arith.constant 0 : index
      %get3A_21 = arith.constant 0 : index
      %get3A_22 = vector.load %arg2[%get3A_20, %get3A_21] : memref<1x128xf32, #tpu.memory_space<vmem>>, vector<1x128xf32>
      %mul3A_23 = arith.constant 9.99999974E-5 : f32
      %mul3A_24 = vector.broadcast %mul3A_23 : f32 to vector<1x128xf32>
      %mul3A_25 = arith.mulf %get3A_22, %mul3A_24 : vector<1x128xf32>
      %logistic3A = arith.negf %mul3A_25 : vector<1x128xf32>
      %logistic3A_26 = math.exp %logistic3A : vector<1x128xf32>
      %logistic3A_27 = arith.constant 1.000000e+00 : f32
      %logistic3A_28 = vector.broadcast %logistic3A_27 : f32 to vector<1x128xf32>
      %logistic3A_29 = arith.addf %logistic3A_28, %logistic3A_26 : vector<1x128xf32>
      %logistic3A_30 = arith.divf %logistic3A_28, %logistic3A_29 : vector<1x128xf32>
      %get3A_31 = arith.constant 0 : index
      %get3A_32 = arith.constant 0 : index
      %get3A_33 = vector.load %arg3[%get3A_31, %get3A_32] : memref<128x128xf32, #tpu.memory_space<vmem>>, vector<128x128xf32>
      %dot_general3A = arith.constant dense<0.000000e+00> : vector<1x128xf32>
      %dot_general3A_34 = tpu.matmul %logistic3A_30, %get3A_33, %dot_general3A {dimension_numbers = #tpu.dot_dimension_numbers<[1], [1], [0], [0], [0, 0, 1, 0], [], []>, transpose_lhs_hint = false} : vector<1x128xf32>, vector<128x128xf32>, vector<1x128xf32> -> vector<1x128xf32>
      %swap3A_35 = arith.constant 0 : index
      %swap3A_36 = arith.constant 0 : index
      %swap3A_37 = vector.load %arg6[%swap3A_35, %swap3A_36] : memref<1x128xf32, #tpu.memory_space<vmem>>, vector<1x128xf32>
      tpu.vector_store %arg6[%swap3A_35, %swap3A_36], %dot_general3A_34 {strides = array<i32>} : memref<1x128xf32, #tpu.memory_space<vmem>>, vector<1x128xf32>,
    } else {
    }
    %get3A = arith.constant 0 : index
    %get3A_2 = arith.constant 0 : index
    %get3A_3 = vector.load %arg1[%get3A, %get3A_2] : memref<2048x128xf32, #tpu.memory_space<vmem>>, vector<2048x128xf32>
    %gt3A = arith.constant 0.000000e+00 : f32
    %gt3A_4 = vector.broadcast %gt3A : f32 to vector<2048x128xf32>
    %gt3A_5 = arith.cmpf ogt, %get3A_3, %gt3A_4 : vector<2048x128xf32>
    %mul3A = arith.constant 2.500000e-01 : f32
    %mul3A_6 = vector.broadcast %mul3A : f32 to vector<2048x128xf32>
    %mul3A_7 = arith.mulf %mul3A_6, %get3A_3 : vector<2048x128xf32>
    %select_n3A = arith.select %gt3A_5, %get3A_3, %mul3A_7 : vector<2048x128xi1>, vector<2048x128xf32>
    %get3A_8 = arith.constant 0 : index
    %get3A_9 = arith.constant 0 : index
    %get3A_10 = vector.load %arg6[%get3A_8, %get3A_9] : memref<1x128xf32, #tpu.memory_space<vmem>>, vector<1x128xf32>
    %mul3A_11 = vector.broadcast %get3A_10 : vector<1x128xf32> to vector<2048x128xf32>
    %mul3A_12 = arith.mulf %select_n3A, %mul3A_11 : vector<2048x128xf32>
    %reduce_sum3A = arith.constant dense<0.000000e+00> : vector<2048xf32>
    %reduce_sum3A_13 = vector.multi_reduction <add>, %mul3A_12, %reduce_sum3A [1] : vector<2048x128xf32> to vector<2048xf32>
    %broadcast_in_dim3A = vector.shape_cast %reduce_sum3A_13 : vector<2048xf32> to vector<2048x1xf32>
    %get3A_14 = arith.constant 0 : index
    %get3A_15 = arith.constant 0 : index
    %get3A_16 = vector.load %arg4[%get3A_14, %get3A_15] : memref<1x1xf32, #tpu.memory_space<vmem>>, vector<1x1xf32>
    %add3A = vector.broadcast %get3A_16 : vector<1x1xf32> to vector<2048x1xf32>
    %add3A_17 = arith.addf %broadcast_in_dim3A, %add3A : vector<2048x1xf32>
    %swap3A = arith.constant 0 : index
    %swap3A_18 = arith.constant 0 : index
    %swap3A_19 = vector.load %arg5[%swap3A, %swap3A_18] : memref<2048x1xf32, #tpu.memory_space<vmem>>, vector<2048x1xf32>
    tpu.vector_store %arg5[%swap3A, %swap3A_18], %add3A_17 {strides = array<i32>} : memref<2048x1xf32, #tpu.memory_space<vmem>>, vector<2048x1xf32>,
    return
  }
  func.func @transform_0(%arg0: i32) -> (i32, i32) {
    %c0_i32 = arith.constant 0 : i32
    %c0_i32_0 = arith.constant 0 : i32
    return %arg0, %c0_i32 : i32, i32
  }
  func.func @transform_1(%arg0: i32) -> (i32, i32) {
    %c0_i32 = arith.constant 0 : i32
    %c0_i32_0 = arith.constant 0 : i32
    %c0_i32_1 = arith.constant 0 : i32
    return %c0_i32, %c0_i32_0 : i32, i32
  }
  func.func @transform_2(%arg0: i32) -> (i32, i32) {
    %c0_i32 = arith.constant 0 : i32
    %c0_i32_0 = arith.constant 0 : i32
    %c0_i32_1 = arith.constant 0 : i32
    return %c0_i32, %c0_i32_0 : i32, i32
  }
  func.func @transform_3(%arg0: i32) -> (i32, i32) {
    %c0_i32 = arith.constant 0 : i32
    %c0_i32_0 = arith.constant 0 : i32
    %c0_i32_1 = arith.constant 0 : i32
    return %c0_i32, %c0_i32_0 : i32, i32
  }
  func.func @transform_4(%arg0: i32) -> (i32, i32) {
    %c0_i32 = arith.constant 0 : i32
    %c0_i32_0 = arith.constant 0 : i32
    return %arg0, %c0_i32 : i32, i32
  }
}

</mosaic_0001>

<sc_bundles>
// kernel: kernel.6.cloned.1.call-start
scs
__scs_entry_jumppad:
0x0: {  	(pc) =	sbr.rel $0x88, $3  }
0x1: {  	(tag) =	ssettag $0x0;
	lr =	simm.s32 $0x1  }
0x2: {  	[smem:$0x3F9A] =	sst lr;
	_ =	strace $0xD0000000  }
0x3: {  	_ = 	snop  }
0x4: {  	_ = 	snop  }
0x5: {  	_ = 	snop  }
0x6: {  	_ = 	snop  }
0x7: {  	_ = 	snop  }
__scs_overlays_trampoline_lowered:
0x8: {  	[smem:$0x3FA9] =	sst s0  }
0x9: {  	[smem:$0x3FAA] =	sst s1  }
0xa: {  	[smem:$0x3FAB] =	sst s2  }
0xb: {  	[smem:$0x3FAC] =	sst s3  }
0xc: {  	[smem:$0x3FAD] =	sst s4  }
0xd: {  	[smem:$0x3FAE] =	sst s5  }
0xe: {  	[smem:$0x3FAF] =	sst s6  }
0xf: {  	[smem:$0x3FB0] =	sst s7  }
0x10: {  	[smem:$0x3FB1] =	sst s8  }
0x11: {  	[smem:$0x3FB2] =	sst s9;
	s0 =	simm.s32 @!p0 $0x0  }
0x12: {  	s1 =	sld [smem:$0x3F98];
	s0 =	simm.s32 @p0 $0x1  }
0x13: {  	[smem:$0x3FB3] =	sst s0;
	s0 =	simm.s32 @!p1 $0x0  }
0x14: {  	s2 =	sld [smem:$0x3F97];
	s0 =	simm.s32 @p1 $0x1  }
0x15: {  	[smem:$0x3FB4] =	sst s0;
	s0 =	simm.s32 @!p2 $0x0  }
0x16: {  	s3 =	sld [smem:$0x3FDB];
	s0 =	simm.s32 @p2 $0x1  }
0x17: {  	s4 =	simm.s32 $0x1BF5;
	[smem:$0x3FB6] =	sst s0  }
0x18: {  	s0 =	sld [smem:$0x3F99];
	_ =	swait.ge [sflag:s4], $0x0  }
0x19: {  	s7 =	sld [smem:$0x3F9A]  }
0x1a: {  	s8 =	sadd.s32 $0xFFFFE003, lr  }
0x1b: {  	s9 =	sadd.s32 $0xFFFFFEF7, lr;
	s5 =	simm.s32 $0xFFFFFFFF;
	p2 =	slt.u32 s8, $0xFFFFF086  }
0x1c: {  	p1 =	slt.u32 s9, $0xF7A;
	s5 =	simm.s32 @!p2 $0x0  }
0x1d: {  	s5 =	simm.s32 @p1 $0x1;
	p0 =	seq.s32 s7, s2  }
0x1e: {  	s7 =	smul.u32 @!p0 $0xF7A, s2;
	p2 =	seq.s32 @!p0 s5, $0x0  }
0x1f: {  	s9 =	smul.u32 $0xF7A, s1;
	s8 =	simm.s32 @!p0 $0x1BF5;
	p2 =	por !p2, p0  }
0x20: {  	[sflag:s8] =	ssyncset.s32 @!p0 $0xFFFFF086;
	s6 =	sadd.s32 @!p0 s3, s7;
	s7 =	simm.s32 @!p0 $0x108  }
0x21: {  	s3 =	sadd.s32 s3, s9;
	s6 =	sadd.s32 @!p0 $0x88, s6;
	s7 =	simm.s32 @p2 $0x1082  }
0x22: {  	[simem:s7], [sflag:s8] =	dma.local @!p0 [hbm:s6], $0xF7A  }
0x23: {  	s9 =	sor.u32 $0xD0000000, s2;
	s6 =	simm.s32 $0x108;
	_ =	swait.ge @!p0 [sflag:s8], $0x0  }
0x24: {  	s3 =	sadd.s32 $0x88, s3;
	s6 =	simm.s32 @!p1 $0x1082;
	[sflag:s4] =	ssyncset.s32 $0xFFFFF086  }
0x25: {  	[simem:s6], [sflag:s4] =	dma.local [hbm:s3], $0xF7A  }
0x26: {  	[smem:$0x3F9A] =	sst s1;
	(tag) =	ssettag s2;
	_ =	strace s9  }
0x27: {  	s1 =	sld [smem:$0x3FAA]  }
0x28: {  	s2 =	sld [smem:$0x3FAB]  }
0x29: {  	s4 =	sld [smem:$0x3FAD]  }
0x2a: {  	p0 =	seq.s32 s5, $0x0;
	s5 =	sld [smem:$0x3FAE]  }
0x2b: {  	s6 =	sld [smem:$0x3FAF]  }
0x2c: {  	s7 =	sld [smem:$0x3FB0]  }
0x2d: {  	s3 =	simm.s32 $0x108;
	s8 =	sld [smem:$0x3FB1]  }
0x2e: {  	s3 =	simm.s32 @!p0 $0x1082;
	s9 =	sld [smem:$0x3FB2]  }
0x2f: {  	lr =	sadd.s32 s0, s3;
	s0 =	sld [smem:$0x3FA9]  }
0x30: {  	s3 =	sld [smem:$0x3FAC]  }
0x31: {  	[smem:$0x3FB5] =	sst s10  }
0x32: {  	s10 =	sld [smem:$0x3FB3];
	_ =	sdelay $0x3  }
0x33: {  	p0 =	seq.s32 s10, $0x1;
	s10 =	sld [smem:$0x3FB5];
	_ =	sdelay $0x3  }
0x34: {  	[smem:$0x3FB5] =	sst s10  }
0x35: {  	s10 =	sld [smem:$0x3FB4];
	_ =	sdelay $0x3  }
0x36: {  	p1 =	seq.s32 s10, $0x1;
	s10 =	sld [smem:$0x3FB5];
	_ =	sdelay $0x3  }
0x37: {  	[smem:$0x3FB5] =	sst s10  }
0x38: {  	s10 =	sld [smem:$0x3FB6]  }
0x39: {  	_ = 	snop;
	(pc) =	sbr.ind lr, $3  }
0x3a: {  	_ = 	snop  }
0x3b: {  	_ = 	snop  }
0x3c: {  	p2 =	seq.s32 s10, $0x1;
	s10 =	sld [smem:$0x3FB5]  }
0x3d: {  	_ =	shalt  }
0x3e: {  	_ =	shalt  }
0x3f: {  	_ =	shalt  }
0x40: {  	_ =	shalt  }
0x41: {  	_ =	shalt  }
0x42: {  	_ =	shalt  }
0x43: {  	_ =	shalt  }
0x44: {  	_ =	shalt  }
0x45: {  	_ =	shalt  }
0x46: {  	_ =	shalt  }
0x47: {  	_ =	shalt  }
0x48: {  	_ =	shalt  }
0x49: {  	_ =	shalt  }
0x4a: {  	_ =	shalt  }
0x4b: {  	_ =	shalt  }
0x4c: {  	_ =	shalt  }
0x4d: {  	_ =	shalt  }
0x4e: {  	_ =	shalt  }
0x4f: {  	_ =	shalt  }
0x50: {  	_ =	shalt  }
0x51: {  	_ =	shalt  }
0x52: {  	_ =	shalt  }
0x53: {  	_ =	shalt  }
0x54: {  	_ =	shalt  }
0x55: {  	_ =	shalt  }
0x56: {  	_ =	shalt  }
0x57: {  	_ =	shalt  }
0x58: {  	_ =	shalt  }
0x59: {  	_ =	shalt  }
0x5a: {  	_ =	shalt  }
0x5b: {  	_ =	shalt  }
0x5c: {  	_ =	shalt  }
0x5d: {  	_ =	shalt  }
0x5e: {  	_ =	shalt  }
0x5f: {  	_ =	shalt  }
0x60: {  	_ =	shalt  }
0x61: {  	_ =	shalt  }
0x62: {  	_ =	shalt  }
0x63: {  	_ =	shalt  }
0x64: {  	_ =	shalt  }
0x65: {  	_ =	shalt  }
0x66: {  	_ =	shalt  }
0x67: {  	_ =	shalt  }
0x68: {  	_ =	shalt  }
0x69: {  	_ =	shalt  }
0x6a: {  	_ =	shalt  }
0x6b: {  	_ =	shalt  }
0x6c: {  	_ =	shalt  }
0x6d: {  	_ =	shalt  }
0x6e: {  	_ =	shalt  }
0x6f: {  	_ =	shalt  }
0x70: {  	_ =	shalt  }
0x71: {  	_ =	shalt  }
0x72: {  	_ =	shalt  }
0x73: {  	_ =	shalt  }
0x74: {  	_ =	shalt  }
0x75: {  	_ =	shalt  }
0x76: {  	_ =	shalt  }
0x77: {  	_ =	shalt  }
0x78: {  	_ =	shalt  }
0x79: {  	_ =	shalt  }
0x7a: {  	_ =	shalt  }
0x7b: {  	_ =	shalt  }
0x7c: {  	_ =	shalt  }
0x7d: {  	_ =	shalt  }
0x7e: {  	_ =	shalt  }
0x7f: {  	_ =	shalt  }
0x80: {  	_ =	shalt  }
0x81: {  	_ =	shalt  }
0x82: {  	_ =	shalt  }
0x83: {  	_ =	shalt  }
0x84: {  	_ =	shalt  }
0x85: {  	_ =	shalt  }
0x86: {  	_ =	shalt  }
0x87: {  	_ =	shalt  }
.Lfunc_end0:
.L_simem_size_0:
called_computation_lowered:
.L_overlay_start_0:
0x88: {  	s2 =	sld [smem:$0x3FD9]  }
0x89: {  	s3 =	sld [smem:$0x3FFE];
	_ =	sdelay $0x1  }
0x8a: {  	s1 =	srdreg.scid  }
0x8b: {  	s0 =	sand.u32 $0x1, s1  }
0x8c: {  	s16 =	sshll.u32 s0, $0xA;
	s2 =	sadd.s32 s3, s2  }
0x8d: {  	s2 =	sadd.s32 s2, s16  }
0x8e: {  	[smem:$0x3FC1] =	sst s2  }
0x8f: {  	_ = 	snop  }
0x90: {  	(tm) =	ssettm $0x1  }
0x91: {  	s17 =	sld [smem:$0x3FFB];
	_ =	sdelay $0x3  }
0x92: {  	_ =	strace s17  }
0x93: {  	s2 =	sld [smem:$0x3FFC];
	_ =	sdelay $0x3  }
0x94: {  	_ =	strace s2  }
0x95: {  	s2 =	sld [smem:$0x3FFD];
	_ =	sdelay $0x3  }
0x96: {  	_ =	strace s2  }
0x97: {  	_ =	strace $0x8FFFFFFF  }
0x98: {  	s18 =	sld [smem:$0x3FDB];
	_ =	sdelay $0x1  }
0x99: {  	s19 =	simm.s32 $_scs_section_size  }
0x9a: {  	s4 =	simm.s32 $_size__tile_overlayer_lowered;
	s5 =	simm.s32 $_tile_overlayer_lowered  }
0x9b: {  	s22 =	simm.s32 $0x1BFF;
	s21 =	sshll.u32 s5, $0x1;
	s2 =	sadd.s32 s19, s18  }
0x9c: {  	s6 =	simm.s32 $0x0;
	s20 =	sshll.u32 s4, $0x1;
	s4 =	sadd.s32 s21, s2  }
0x9d: {  	[timem:s6], [sflag:s22] =	dma.local [hbm:s4], s20  }
0x9e: {  	_ =	swait.ge [sflag:s22], s20  }
0x9f: {  	s3 =	ssub.s32 $0x0, s20;
	[sflag:s22] =	ssyncset.done $0x0  }
0xa0: {  	[sflag:s22] =	ssyncadd.s32 s3;
	_ =	sdelay $0x1  }
0xa1: {  	s23 =	simm.s32 $0x1B8B  }
0xa2: {  	_ =	swait.ge [sflag:s23], $0x1  }
0xa3: {  	[sflag:s23] =	ssyncset.done $0x0  }
0xa4: {  	s25 =	simm.s32 $0x1B8E;
	s24 =	sld [smem:$0x3FFE];
	[sflag:s23] =	ssyncadd.s32 $0xFFFFFFFF  }
0xa5: {  	s26 =	simm.s32 $execute0_lowered;
	[smem:$0x3FD2] =	sst s25  }
0xa6: {  	s4 =	sshll.u32 s26, $0x1;
	_ =	strace $0x80000046;
	[dreg:$0x1] =	wrdreg $0xFFFFFFFF  }
0xa7: {  	s28 =	simm.s32 $_size_execute0_lowered;
	s2 =	sadd.s32 s2, s4;
	[dreg:$0x0] =	wrdreg $0x0  }
0xa8: {  	s4 =	sshll.u32 s28, $0x1;
	[dreg:$0x2] =	wrdreg s2  }
0xa9: {  	[dreg:$0x3] =	wrdreg s4  }
0xaa: {  	[dreg:$0x4] =	wrdreg $0xC0  }
0xab: {  	_ =	task [dreg:s6], $0x5FFFF  }
0xac: {  	[dreg:$0x1] =	wrdreg $0xFFFFFFFF  }
0xad: {  	[dreg:$0x0] =	wrdreg $0x60  }
0xae: {  	[dreg:$0x2] =	wrdreg s24  }
0xaf: {  	[dreg:$0x3] =	wrdreg $0xA0000  }
0xb0: {  	[dreg:$0x4] =	wrdreg $0x9  }
0xb1: {  	_ =	task.clear_ibuf [dreg:s6], $0x5FFFF;
	_ =	strace $0x90000046  }
0xb2: {  	s29 =	simm.s32 $0x9;
	_ =	strace $0x80000048  }
0xb3: {  	_ =	swait.ge [sflag:s29], $0x1  }
0xb4: {  	[sflag:s29] =	ssyncadd.s32 $0xFFFFFFFF  }
0xb5: {  	_ =	strace $0x90000048  }
0xb6: {  	_ =	sfence  }
0xb7: {  	s30 =	sld [smem:$0x0];
	_ =	sdelay $0x2  }
0xb8: {  	s31 =	sshll.u32 s1, $0xD;
	s1 =	sshrl.u32 s1, $0x2  }
0xb9: {  	s3 =	sand.u32 $0x4000, s31;
	s1 =	sadd.s32 s1, s30  }
0xba: {  	s0 =	sor.u32 s3, s0;
	s1 =	sshll.u32 s1, $0x11  }
0xbb: {  	s0 =	sor.u32 s1, s0  }
0xbc: {  	s0 =	sadd.s32 $0x8F2B, s0  }
0xbd: {  	[sflag:s0] =	ssyncadd.remote.s32 $0x1  }
0xbe: {  	_ =	sfence.sel $0xFFFF  }
0xbf: {  	[dreg:$0x0] =	wrdreg $0xFFFFFFFF;
	(pc) =	sbr.abs _section_cstart, $3  }
0xc0: {  	[dreg:$0x1] =	wrdreg $0xFFFFFFFF  }
0xc1: {  	_ =	task.clear_ibuf [dreg:s6], $0x2FFFF;
	_ =	strace $0x9FFFFFFF  }
0xc2: {  	(tm) =	ssettm $0x7FFFFFFF  }
0xc3: {  	_ =	shalt  }
tec
execute0_lowered:
.L_overlay_start_1:
0x0: {  	(tag) =	ssettag $0x1  }
0x1: {  	s0 =	rddreg [dreg:$0x0]  }
0x2: {  	s1 =	rddreg [dreg:$0x1]  }
0x3: {  	s3 =	simm.s32 $0x0;
	s2 =	srdreg.scid;
	s12 =	stileid.u32  }
0x4: {  	s28 =	simm.s32 $0x6000;
	s29 =	simm.s32 $0x1;
	s7 =	smul.u32 $0x14000, s12  }
0x5: {  	s31 =	simm.s32 $0x2;
	s13 =	simm.s32 $0x1E80;
	s14 =	smul.u32 $0x5000, s12  }
0x6: {  	[smem:$0x7FF] =	sst s3;
	s2 =	sand.u32 $0x1, s2;
	s11 =	smul.u32 $0x50000, s12  }
0x7: {  	s4 =	sadd.s32 $0x400, s0;
	s5 =	sadd.s32 $0x4E600, s0;
	s24 =	smul.u32 $0xA00, s12  }
0x8: {  	s8 =	sadd.s32 $0x62600, s0;
	s12 =	simm.s32 $0x1700;
	s6 =	smul.u32 $0x140000, s2  }
0x9: {  	_ =	strace $0x80000047;
	s9 =	smul.u32 $0x50000, s2;
	s2 =	ssub.s32 $0x2, s2  }
0xa: {  	s10 =	sshrl.u32 s2, $0x1;
	s16 =	sshrl.u32 s11, $0x2;
	s11 =	simm.s32 $0x1E00  }
0xb: {  	s6 =	sadd.s32 s7, s6;
	s2 =	ssub.s32 s2, s10;
	s15 =	sadd.s32 s14, s9  }
0xc: {  	s7 =	sshrl.u32 s14, $0x3;
	s19 =	sadd.s32 s16, s1;
	s10 =	simm.s32 $0x1D80  }
0xd: {  	s14 =	simm.s32 $0x1780;
	s16 =	simm.s32 $0x1F80;
	s6 =	sshrl.u32 s6, $0x3  }
0xe: {  	s9 =	sshrl.u32 s15, $0x3;
	s18 =	sadd.s32 $0x4000, s19;
	[dreg:$0x5] =	wrdreg s19  }
0xf: {  	s17 =	sadd.s32 s8, s7;
	s20 =	sadd.s32 $0x8000, s19;
	[dreg:$0x6] =	wrdreg s18  }
0x10: {  	s21 =	sadd.s32 $0xC000, s19;
	s22 =	sadd.s32 $0x10000, s19;
	[dreg:$0x7] =	wrdreg s20  }
0x11: {  	s26 =	sadd.s32 $0x1800, s15;
	s2 =	smax.u32 s2, $0x1;
	[dreg:$0x8] =	wrdreg s21  }
0x12: {  	s30 =	sadd.s32 $0x1000, s15;
	s15 =	simm.s32 $0x1F00;
	[dreg:$0x9] =	wrdreg s22  }
0x13: {  	s7 =	simm.s32 $0x0;
	s0 =	sadd.s32 s6, s0;
	[dreg:$0x4] =	wrdreg s17  }
0x14: {  	s9 =	sadd.s32 s5, s9;
	s25 =	sadd.s32 $0x100, s17;
	[dreg:$0xd] =	wrdreg s2  }
0x15: {  	s17 =	sadd.s32 s24, s8;
	[dreg:$0xe] =	wrdreg s30;
	s21 =	simm.s32 $0x2000  }
0x16: {  	s22 =	simm.s32 $0x4;
	s24 =	simm.s32 $0x1000;
	s2 =	simm.s32 $0x1D00  }
.Ltmp0:
0x17: {  	s20 =	simm.s32 $0x1680;
	[dreg:$0x3] =	wrdreg s9;
	(pc) =	sbr.rel .LBB2_1-.Ltmp0, $4  }
0x18: {  	s23 =	sadd.s32 $0x100, s9;
	[dreg:$0xb] =	wrdreg s25;
	s0 =	sadd.s32 $0x6C600, s0  }
0x19: {  	s25 =	simm.s32 $0x1800;
	s9 =	simm.s32 $0x1600;
	[dreg:$0xa] =	wrdreg s23  }
0x1a: {  	[dreg:$0xc] =	wrdreg s0;
	s0 =	sshrl.u32 s26, $0x3;
	s23 =	simm.s32 $0x3  }
0x1b: {  	v0 =	vimm.f32 $0.0e+00;
	s26 =	simm.s32 $0x80;
	s18 =	sadd.s32 s0, s5;
	s0 =	simm.s32 $0x1580  }
.LBB2_6:
0x1c: {  	_ =	swait.ge [sflag:s31], $0x4000  }
0x1d: {  	[sflag:s31] =	ssyncset.done $0x0  }
0x1e: {  	[sflag:s31] =	ssyncadd.s32 $0xFFFFC000  }
0x1f: {  	[spmem:s1] =	stream.indirect.scatter.add.f32 [tilespmem:s28], [sflag:$0x4], $0x80, s16, s26, $0xb8;
	[tilespmem:$0x1E000] =	vst v63  }
0x20: {  	_ =	swait.ge [sflag:s22], $0x4000  }
0x21: {  	[sflag:s22] =	ssyncset.done $0x0  }
0x22: {  	[sflag:s22] =	ssyncadd.s32 $0xFFFFC000  }
0x23: {  	s6 =	stileid.u32;
	[bflag:$0x0] =	sbarrier.arrive $0xFFFF  }
0x24: {  	s6 =	sshll.u32 s6, $0x6;
	s19 =	rddreg [dreg:$0x5]  }
0x25: {  	s6 =	sor.u32 $0x1C04, s6;
	s8 =	rddreg [dreg:$0xc];
	s7 =	sshrl.u32 s19, $0x3  }
0x26: {  	[hbm:s8], [sflag:s6] =	dma.local [spmem:s7], $0x2800  }
0x27: {  	_ =	swait.ge [sflag:s22], $0x2800  }
0x28: {  	s8 =	rddreg [dreg:$0xf]  }
0x29: {  	s30 =	rddreg [dreg:$0xd];
	s7 =	sadd.s32 $0x1, s8  }
0x2a: {  	p0 =	sne.s32 s7, s30  }
.Ltmp1:
0x2b: {  	_ = 	snop;
	(pc) =	sbr.rel @!p0 .LBB2_7-.Ltmp1, $3  }
0x2c: {  	_ =	sdelay $0x1  }
0x2d: {  	[sflag:s22] =	ssyncset.done $0x0  }
0x2e: {  	[sflag:s22] =	ssyncadd.s32 $0xFFFFD800  }
.LBB2_1:
0x2f: {  	[dreg:$0xf] =	wrdreg s7  }
0x30: {  	s6 =	rddreg [dreg:$0x3]  }
0x31: {  	s8 =	rddreg [dreg:$0x4]  }
0x32: {  	[tilespmem:s3], [sflag:$0x3] =	stream.linear.gather [hbm4b:s6+s3], $0x800, $0x38;
	[tilespmem:$0x1E000] =	vst v63  }
0x33: {  	s30 =	simm.s32 $0x800;
	s7 =	simm.s32 $0x200;
	s6 =	simm.s32 $0x0  }
0x34: {  	[tilespmem:s30], [sflag:$0x3] =	stream.linear.gather [hbm4b:s8+s3], $0x800, $0x38;
	[tilespmem:$0x1E000] =	vst v63  }
.LBB2_2:
0x35: {  	p0 =	sne.s32 s7, $0xFE00;
	[tilespmem:s6+$0x2070] =	vst v0  }
0x36: {  	[tilespmem:s6+$0x2000] =	vst v0  }
0x37: {  	[tilespmem:s6+$0x2010] =	vst v0  }
.Ltmp2:
0x38: {  	[tilespmem:s6+$0x2020] =	vst v0;
	(pc) =	sbr.rel @p0 .LBB2_2-.Ltmp2, $4  }
0x39: {  	[tilespmem:s6+$0x2030] =	vst v0  }
0x3a: {  	[tilespmem:s6+$0x2040] =	vst v0  }
0x3b: {  	[tilespmem:s6+$0x2050] =	vst v0  }
0x3c: {  	[tilespmem:s6+$0x2060] =	vst v0;
	s6 =	sshra.s32 s7, $0x2;
	s7 =	sadd.s32 $0x200, s7  }
0x3d: {  	[tilespmem:s6+$0x2070] =	vst v0  }
0x3e: {  	[tilespmem:s6+$0x2000] =	vst v0  }
0x3f: {  	[tilespmem:s6+$0x2010] =	vst v0  }
0x40: {  	[tilespmem:s6+$0x2020] =	vst v0  }
0x41: {  	[tilespmem:s6+$0x2030] =	vst v0  }
0x42: {  	[tilespmem:s6+$0x2040] =	vst v0  }
0x43: {  	[tilespmem:s6+$0x2050] =	vst v0  }
0x44: {  	[tilespmem:s6+$0x2060] =	vst v0  }
0x45: {  	[spmem:s19] =	stream.linear.scatter [tilespmem:s21], [sflag:$0x4], $0x4000, $0x38;
	[tilespmem:$0x1E000] =	vst v63  }
0x46: {  	_ =	swait.ge [sflag:s22], $0x4000  }
0x47: {  	[sflag:s22] =	ssyncset.done $0x0  }
0x48: {  	s30 =	rddreg [dreg:$0x6];
	[sflag:s22] =	ssyncadd.s32 $0xFFFFC000  }
0x49: {  	[spmem:s30] =	stream.linear.scatter [tilespmem:s21], [sflag:$0x4], $0x4000, $0x38;
	[tilespmem:$0x1E000] =	vst v63  }
0x4a: {  	_ =	swait.ge [sflag:s22], $0x4000  }
0x4b: {  	[sflag:s22] =	ssyncset.done $0x0  }
0x4c: {  	s7 =	rddreg [dreg:$0x7];
	[sflag:s22] =	ssyncadd.s32 $0xFFFFC000  }
0x4d: {  	[spmem:s7] =	stream.linear.scatter [tilespmem:s21], [sflag:$0x4], $0x4000, $0x38;
	[tilespmem:$0x1E000] =	vst v63  }
0x4e: {  	_ =	swait.ge [sflag:s22], $0x4000  }
0x4f: {  	[sflag:s22] =	ssyncset.done $0x0  }
0x50: {  	s8 =	rddreg [dreg:$0x8];
	[sflag:s22] =	ssyncadd.s32 $0xFFFFC000  }
0x51: {  	[spmem:s8] =	stream.linear.scatter [tilespmem:s21], [sflag:$0x4], $0x4000, $0x38;
	[tilespmem:$0x1E000] =	vst v63  }
0x52: {  	_ =	swait.ge [sflag:s22], $0x4000  }
0x53: {  	[sflag:s22] =	ssyncset.done $0x0  }
0x54: {  	s19 =	rddreg [dreg:$0x9];
	[sflag:s22] =	ssyncadd.s32 $0xFFFFC000  }
0x55: {  	[spmem:s19] =	stream.linear.scatter [tilespmem:s21], [sflag:$0x4], $0x4000, $0x38;
	[tilespmem:$0x1E000] =	vst v63  }
0x56: {  	_ =	swait.ge [sflag:s22], $0x4000  }
0x57: {  	[sflag:s22] =	ssyncset.done $0x0  }
0x58: {  	[sflag:s22] =	ssyncadd.s32 $0xFFFFC000  }
0x59: {  	[bflag:$0x0] =	sbarrier.arrive $0xFFFF  }
0x5a: {  	_ =	swait.ge [sflag:s23], $0x800  }
0x5b: {  	[sflag:s23] =	ssyncset.done $0x0  }
0x5c: {  	[sflag:s23] =	ssyncadd.s32 $0xFFFFF800  }
0x5d: {  	_ =	swait.ge [sflag:s23], $0x800  }
0x5e: {  	[sflag:s23] =	ssyncset.done $0x0  }
0x5f: {  	s6 =	simm.s32 $0x0;
	s7 =	rddreg [dreg:$0xa];
	[sflag:s23] =	ssyncadd.s32 $0xFFFFF800  }
0x60: {  	[tilespmem:s24], [sflag:$0x3] =	stream.linear.gather [hbm4b:s7+s6], $0x800, $0x38;
	[tilespmem:$0x1E000] =	vst v63  }
0x61: {  	s30 =	rddreg [dreg:$0xb]  }
0x62: {  	[tilespmem:s25], [sflag:$0x3] =	stream.linear.gather [hbm4b:s30+s6], $0x800, $0x38;
	[tilespmem:$0x1E000] =	vst v63  }
0x63: {  	_ = 	snop  }
0x64: {  	[tilespmem:s21], [sflag:$0x1] =	stream.indirect.gather [hbm4b:s4+s26], $0x80, s6, s26, $0xb8;
	[tilespmem:$0x1E000] =	vst v63  }
0x65: {  	s7 =	rddreg [dreg:$0xe]  }
0x66: {  	[tilespmem:s28], [sflag:$0x2] =	stream.indirect.gather [hbm4b:s4+s26], $0x80, s26, s26, $0xb8;
	[tilespmem:$0x1E000] =	vst v63  }
.LBB2_4:
0x67: {  	_ =	swait.ge [sflag:s29], $0x4000  }
0x68: {  	[sflag:s29] =	ssyncset.done $0x0  }
0x69: {  	s8 =	simm.s32 $0x800;
	[sflag:s29] =	ssyncadd.s32 $0xFFFFC000  }
0x6a: {  	[spmem:s1] =	stream.indirect.scatter.add.f32 [tilespmem:s21], [sflag:$0x4], $0x80, s8, s26, $0xb8;
	[tilespmem:$0x1E000] =	vst v63  }
0x6b: {  	_ =	swait.ge [sflag:s22], $0x4000  }
0x6c: {  	[sflag:s22] =	ssyncset.done $0x0  }
0x6d: {  	s19 =	simm.s32 $0x100;
	[sflag:s22] =	ssyncadd.s32 $0xFFFFC000  }
0x6e: {  	[tilespmem:s21], [sflag:$0x1] =	stream.indirect.gather [hbm4b:s4+s26], $0x80, s19, s26, $0xb8;
	[tilespmem:$0x1E000] =	vst v63  }
0x6f: {  	_ =	swait.ge [sflag:s31], $0x4000  }
0x70: {  	[sflag:s31] =	ssyncset.done $0x0  }
0x71: {  	s30 =	simm.s32 $0x880;
	[sflag:s31] =	ssyncadd.s32 $0xFFFFC000  }
0x72: {  	[spmem:s1] =	stream.indirect.scatter.add.f32 [tilespmem:s28], [sflag:$0x4], $0x80, s30, s26, $0xb8;
	[tilespmem:$0x1E000] =	vst v63  }
0x73: {  	_ =	swait.ge [sflag:s22], $0x4000  }
0x74: {  	[sflag:s22] =	ssyncset.done $0x0  }
0x75: {  	s19 =	simm.s32 $0x180;
	[sflag:s22] =	ssyncadd.s32 $0xFFFFC000  }
0x76: {  	[tilespmem:s28], [sflag:$0x2] =	stream.indirect.gather [hbm4b:s4+s26], $0x80, s19, s26, $0xb8;
	[tilespmem:$0x1E000] =	vst v63  }
0x77: {  	_ =	swait.ge [sflag:s29], $0x4000  }
0x78: {  	[sflag:s29] =	ssyncset.done $0x0  }
0x79: {  	s30 =	simm.s32 $0x900;
	[sflag:s29] =	ssyncadd.s32 $0xFFFFC000  }
0x7a: {  	[spmem:s1] =	stream.indirect.scatter.add.f32 [tilespmem:s21], [sflag:$0x4], $0x80, s30, s26, $0xb8;
	[tilespmem:$0x1E000] =	vst v63  }
0x7b: {  	_ =	swait.ge [sflag:s22], $0x4000  }
0x7c: {  	[sflag:s22] =	ssyncset.done $0x0  }
0x7d: {  	s19 =	simm.s32 $0x200;
	[sflag:s22] =	ssyncadd.s32 $0xFFFFC000  }
0x7e: {  	[tilespmem:s21], [sflag:$0x1] =	stream.indirect.gather [hbm4b:s4+s26], $0x80, s19, s26, $0xb8;
	[tilespmem:$0x1E000] =	vst v63  }
0x7f: {  	_ =	swait.ge [sflag:s31], $0x4000  }
0x80: {  	[sflag:s31] =	ssyncset.done $0x0  }
0x81: {  	s30 =	simm.s32 $0x980;
	[sflag:s31] =	ssyncadd.s32 $0xFFFFC000  }
0x82: {  	[spmem:s1] =	stream.indirect.scatter.add.f32 [tilespmem:s28], [sflag:$0x4], $0x80, s30, s26, $0xb8;
	[tilespmem:$0x1E000] =	vst v63  }
0x83: {  	_ =	swait.ge [sflag:s22], $0x4000  }
0x84: {  	[sflag:s22] =	ssyncset.done $0x0  }
0x85: {  	s19 =	simm.s32 $0x280;
	[sflag:s22] =	ssyncadd.s32 $0xFFFFC000  }
0x86: {  	[tilespmem:s28], [sflag:$0x2] =	stream.indirect.gather [hbm4b:s4+s26], $0x80, s19, s26, $0xb8;
	[tilespmem:$0x1E000] =	vst v63  }
0x87: {  	_ =	swait.ge [sflag:s29], $0x4000  }
0x88: {  	[sflag:s29] =	ssyncset.done $0x0  }
0x89: {  	s30 =	simm.s32 $0xA00;
	[sflag:s29] =	ssyncadd.s32 $0xFFFFC000  }
0x8a: {  	[spmem:s1] =	stream.indirect.scatter.add.f32 [tilespmem:s21], [sflag:$0x4], $0x80, s30, s26, $0xb8;
	[tilespmem:$0x1E000] =	vst v63  }
0x8b: {  	_ =	swait.ge [sflag:s22], $0x4000  }
0x8c: {  	[sflag:s22] =	ssyncset.done $0x0  }
0x8d: {  	s19 =	simm.s32 $0x300;
	[sflag:s22] =	ssyncadd.s32 $0xFFFFC000  }
0x8e: {  	[tilespmem:s21], [sflag:$0x1] =	stream.indirect.gather [hbm4b:s4+s26], $0x80, s19, s26, $0xb8;
	[tilespmem:$0x1E000] =	vst v63  }
0x8f: {  	_ =	swait.ge [sflag:s31], $0x4000  }
0x90: {  	[sflag:s31] =	ssyncset.done $0x0  }
0x91: {  	s30 =	simm.s32 $0xA80;
	[sflag:s31] =	ssyncadd.s32 $0xFFFFC000  }
0x92: {  	[spmem:s1] =	stream.indirect.scatter.add.f32 [tilespmem:s28], [sflag:$0x4], $0x80, s30, s26, $0xb8;
	[tilespmem:$0x1E000] =	vst v63  }
0x93: {  	_ =	swait.ge [sflag:s22], $0x4000  }
0x94: {  	[sflag:s22] =	ssyncset.done $0x0  }
0x95: {  	s19 =	simm.s32 $0x380;
	[sflag:s22] =	ssyncadd.s32 $0xFFFFC000  }
0x96: {  	[tilespmem:s28], [sflag:$0x2] =	stream.indirect.gather [hbm4b:s4+s26], $0x80, s19, s26, $0xb8;
	[tilespmem:$0x1E000] =	vst v63  }
0x97: {  	_ =	swait.ge [sflag:s29], $0x4000  }
0x98: {  	[sflag:s29] =	ssyncset.done $0x0  }
0x99: {  	s30 =	simm.s32 $0xB00;
	[sflag:s29] =	ssyncadd.s32 $0xFFFFC000  }
0x9a: {  	[spmem:s1] =	stream.indirect.scatter.add.f32 [tilespmem:s21], [sflag:$0x4], $0x80, s30, s26, $0xb8;
	[tilespmem:$0x1E000] =	vst v63  }
0x9b: {  	_ =	swait.ge [sflag:s22], $0x4000  }
0x9c: {  	[sflag:s22] =	ssyncset.done $0x0  }
0x9d: {  	s19 =	simm.s32 $0x400;
	[sflag:s22] =	ssyncadd.s32 $0xFFFFC000  }
0x9e: {  	[tilespmem:s21], [sflag:$0x1] =	stream.indirect.gather [hbm4b:s4+s26], $0x80, s19, s26, $0xb8;
	[tilespmem:$0x1E000] =	vst v63  }
0x9f: {  	_ =	swait.ge [sflag:s31], $0x4000  }
0xa0: {  	[sflag:s31] =	ssyncset.done $0x0  }
0xa1: {  	s30 =	simm.s32 $0xB80;
	[sflag:s31] =	ssyncadd.s32 $0xFFFFC000  }
0xa2: {  	[spmem:s1] =	stream.indirect.scatter.add.f32 [tilespmem:s28], [sflag:$0x4], $0x80, s30, s26, $0xb8;
	[tilespmem:$0x1E000] =	vst v63  }
0xa3: {  	_ =	swait.ge [sflag:s22], $0x4000  }
0xa4: {  	[sflag:s22] =	ssyncset.done $0x0  }
0xa5: {  	s19 =	simm.s32 $0x480;
	[sflag:s22] =	ssyncadd.s32 $0xFFFFC000  }
0xa6: {  	[tilespmem:s28], [sflag:$0x2] =	stream.indirect.gather [hbm4b:s4+s26], $0x80, s19, s26, $0xb8;
	[tilespmem:$0x1E000] =	vst v63  }
0xa7: {  	_ =	swait.ge [sflag:s29], $0x4000  }
0xa8: {  	[sflag:s29] =	ssyncset.done $0x0  }
0xa9: {  	s30 =	simm.s32 $0xC00;
	[sflag:s29] =	ssyncadd.s32 $0xFFFFC000  }
0xaa: {  	[spmem:s1] =	stream.indirect.scatter.add.f32 [tilespmem:s21], [sflag:$0x4], $0x80, s30, s26, $0xb8;
	[tilespmem:$0x1E000] =	vst v63  }
0xab: {  	_ =	swait.ge [sflag:s22], $0x4000  }
0xac: {  	[sflag:s22] =	ssyncset.done $0x0  }
0xad: {  	s19 =	simm.s32 $0x500;
	[sflag:s22] =	ssyncadd.s32 $0xFFFFC000  }
0xae: {  	[tilespmem:s21], [sflag:$0x1] =	stream.indirect.gather [hbm4b:s4+s26], $0x80, s19, s26, $0xb8;
	[tilespmem:$0x1E000] =	vst v63  }
0xaf: {  	_ =	swait.ge [sflag:s31], $0x4000  }
0xb0: {  	[sflag:s31] =	ssyncset.done $0x0  }
0xb1: {  	s30 =	simm.s32 $0xC80;
	[sflag:s31] =	ssyncadd.s32 $0xFFFFC000  }
0xb2: {  	[spmem:s1] =	stream.indirect.scatter.add.f32 [tilespmem:s28], [sflag:$0x4], $0x80, s30, s26, $0xb8;
	[tilespmem:$0x1E000] =	vst v63  }
0xb3: {  	_ =	swait.ge [sflag:s22], $0x4000  }
0xb4: {  	[sflag:s22] =	ssyncset.done $0x0  }
0xb5: {  	s19 =	simm.s32 $0x580;
	[sflag:s22] =	ssyncadd.s32 $0xFFFFC000  }
0xb6: {  	[tilespmem:s28], [sflag:$0x2] =	stream.indirect.gather [hbm4b:s4+s26], $0x80, s19, s26, $0xb8;
	[tilespmem:$0x1E000] =	vst v63  }
0xb7: {  	_ =	swait.ge [sflag:s29], $0x4000  }
0xb8: {  	[sflag:s29] =	ssyncset.done $0x0  }
0xb9: {  	s30 =	simm.s32 $0xD00;
	[sflag:s29] =	ssyncadd.s32 $0xFFFFC000  }
0xba: {  	[spmem:s1] =	stream.indirect.scatter.add.f32 [tilespmem:s21], [sflag:$0x4], $0x80, s30, s26, $0xb8;
	[tilespmem:$0x1E000] =	vst v63  }
0xbb: {  	_ =	swait.ge [sflag:s22], $0x4000  }
0xbc: {  	[sflag:s22] =	ssyncset.done $0x0  }
0xbd: {  	s19 =	simm.s32 $0x600;
	[sflag:s22] =	ssyncadd.s32 $0xFFFFC000  }
0xbe: {  	[tilespmem:s21], [sflag:$0x1] =	stream.indirect.gather [hbm4b:s4+s26], $0x80, s19, s26, $0xb8;
	[tilespmem:$0x1E000] =	vst v63  }
0xbf: {  	_ =	swait.ge [sflag:s31], $0x4000  }
0xc0: {  	[sflag:s31] =	ssyncset.done $0x0  }
0xc1: {  	s30 =	simm.s32 $0xD80;
	[sflag:s31] =	ssyncadd.s32 $0xFFFFC000  }
0xc2: {  	[spmem:s1] =	stream.indirect.scatter.add.f32 [tilespmem:s28], [sflag:$0x4], $0x80, s30, s26, $0xb8;
	[tilespmem:$0x1E000] =	vst v63  }
0xc3: {  	_ =	swait.ge [sflag:s22], $0x4000  }
0xc4: {  	[sflag:s22] =	ssyncset.done $0x0  }
0xc5: {  	s19 =	simm.s32 $0x680;
	[sflag:s22] =	ssyncadd.s32 $0xFFFFC000  }
0xc6: {  	[tilespmem:s28], [sflag:$0x2] =	stream.indirect.gather [hbm4b:s4+s26], $0x80, s19, s26, $0xb8;
	[tilespmem:$0x1E000] =	vst v63  }
0xc7: {  	_ =	swait.ge [sflag:s29], $0x4000  }
0xc8: {  	[sflag:s29] =	ssyncset.done $0x0  }
0xc9: {  	s30 =	simm.s32 $0xE00;
	[sflag:s29] =	ssyncadd.s32 $0xFFFFC000  }
0xca: {  	[spmem:s1] =	stream.indirect.scatter.add.f32 [tilespmem:s21], [sflag:$0x4], $0x80, s30, s26, $0xb8;
	[tilespmem:$0x1E000] =	vst v63  }
0xcb: {  	_ =	swait.ge [sflag:s22], $0x4000  }
0xcc: {  	[sflag:s22] =	ssyncset.done $0x0  }
0xcd: {  	s19 =	simm.s32 $0x700;
	[sflag:s22] =	ssyncadd.s32 $0xFFFFC000  }
0xce: {  	[tilespmem:s21], [sflag:$0x1] =	stream.indirect.gather [hbm4b:s4+s26], $0x80, s19, s26, $0xb8;
	[tilespmem:$0x1E000] =	vst v63  }
0xcf: {  	_ =	swait.ge [sflag:s31], $0x4000  }
0xd0: {  	[sflag:s31] =	ssyncset.done $0x0  }
0xd1: {  	s30 =	simm.s32 $0xE80;
	[sflag:s31] =	ssyncadd.s32 $0xFFFFC000  }
0xd2: {  	[spmem:s1] =	stream.indirect.scatter.add.f32 [tilespmem:s28], [sflag:$0x4], $0x80, s30, s26, $0xb8;
	[tilespmem:$0x1E000] =	vst v63  }
0xd3: {  	_ =	swait.ge [sflag:s22], $0x4000  }
0xd4: {  	[sflag:s22] =	ssyncset.done $0x0  }
0xd5: {  	s19 =	simm.s32 $0x780;
	[sflag:s22] =	ssyncadd.s32 $0xFFFFC000  }
0xd6: {  	[tilespmem:s28], [sflag:$0x2] =	stream.indirect.gather [hbm4b:s4+s26], $0x80, s19, s26, $0xb8;
	[tilespmem:$0x1E000] =	vst v63  }
0xd7: {  	_ =	swait.ge [sflag:s29], $0x4000  }
0xd8: {  	[sflag:s29] =	ssyncset.done $0x0  }
0xd9: {  	s30 =	simm.s32 $0xF00;
	[sflag:s29] =	ssyncadd.s32 $0xFFFFC000  }
0xda: {  	[spmem:s1] =	stream.indirect.scatter.add.f32 [tilespmem:s21], [sflag:$0x4], $0x80, s30, s26, $0xb8;
	[tilespmem:$0x1E000] =	vst v63  }
0xdb: {  	_ =	swait.ge [sflag:s22], $0x4000  }
0xdc: {  	[sflag:s22] =	ssyncset.done $0x0  }
0xdd: {  	[sflag:s22] =	ssyncadd.s32 $0xFFFFC000  }
0xde: {  	_ =	swait.ge [sflag:s23], $0x800  }
0xdf: {  	[sflag:s23] =	ssyncset.done $0x0  }
0xe0: {  	[sflag:s23] =	ssyncadd.s32 $0xFFFFF800  }
0xe1: {  	_ =	swait.ge [sflag:s23], $0x800  }
0xe2: {  	[sflag:s23] =	ssyncset.done $0x0  }
0xe3: {  	[sflag:s23] =	ssyncadd.s32 $0xFFFFF800  }
0xe4: {  	[tilespmem:s21], [sflag:$0x1] =	stream.indirect.gather [hbm4b:s4+s26], $0x80, s24, s26, $0xb8;
	[tilespmem:$0x1E000] =	vst v63  }
0xe5: {  	_ =	swait.ge [sflag:s31], $0x4000  }
0xe6: {  	[sflag:s31] =	ssyncset.done $0x0  }
0xe7: {  	s19 =	simm.s32 $0xF80;
	[sflag:s31] =	ssyncadd.s32 $0xFFFFC000  }
0xe8: {  	[spmem:s1] =	stream.indirect.scatter.add.f32 [tilespmem:s28], [sflag:$0x4], $0x80, s19, s26, $0xb8;
	[tilespmem:$0x1E000] =	vst v63  }
0xe9: {  	_ =	swait.ge [sflag:s22], $0x4000  }
0xea: {  	p0 =	seq.s32 s6, $0x800;
	[sflag:s22] =	ssyncset.done $0x0  }
0xeb: {  	s30 =	simm.s32 $0x1080;
	s19 =	sshrl.u32 @!p0 s7, $0x3;
	[sflag:s22] =	ssyncadd.s32 $0xFFFFC000  }
0xec: {  	[tilespmem:s28], [sflag:$0x2] =	stream.indirect.gather [hbm4b:s4+s26], $0x80, s30, s26, $0xb8;
	[tilespmem:$0x1E000] =	vst v63  }
0xed: {  	s8 =	simm.s32 @!p0 $0x0;
	s19 =	sadd.s32 @!p0 s5, s19  }
0xee: {  	[tilespmem:s8], [sflag:$0x3] =	stream.linear.gather @!p0 [hbm4b:s19+s8], $0x800, $0x38;
	[tilespmem:$0x1E000] =	vst v63  }
0xef: {  	s19 =	sadd.s32 @!p0 s6, s17  }
0xf0: {  	s30 =	simm.s32 @!p0 $0x800;
	s19 =	sadd.s32 @!p0 $0x200, s19  }
0xf1: {  	[tilespmem:s30], [sflag:$0x3] =	stream.linear.gather @!p0 [hbm4b:s19+s8], $0x800, $0x38;
	[tilespmem:$0x1E000] =	vst v63  }
0xf2: {  	_ =	swait.ge [sflag:s29], $0x4000  }
0xf3: {  	[sflag:s29] =	ssyncset.done $0x0  }
0xf4: {  	[sflag:s29] =	ssyncadd.s32 $0xFFFFC000  }
0xf5: {  	[spmem:s1] =	stream.indirect.scatter.add.f32 [tilespmem:s21], [sflag:$0x4], $0x80, s25, s26, $0xb8;
	[tilespmem:$0x1E000] =	vst v63  }
0xf6: {  	_ =	swait.ge [sflag:s22], $0x4000  }
0xf7: {  	[sflag:s22] =	ssyncset.done $0x0  }
0xf8: {  	s19 =	simm.s32 $0x1100;
	[sflag:s22] =	ssyncadd.s32 $0xFFFFC000  }
0xf9: {  	[tilespmem:s21], [sflag:$0x1] =	stream.indirect.gather [hbm4b:s4+s26], $0x80, s19, s26, $0xb8;
	[tilespmem:$0x1E000] =	vst v63  }
0xfa: {  	_ =	swait.ge [sflag:s31], $0x4000  }
0xfb: {  	[sflag:s31] =	ssyncset.done $0x0  }
0xfc: {  	s30 =	simm.s32 $0x1880;
	[sflag:s31] =	ssyncadd.s32 $0xFFFFC000  }
0xfd: {  	[spmem:s1] =	stream.indirect.scatter.add.f32 [tilespmem:s28], [sflag:$0x4], $0x80, s30, s26, $0xb8;
	[tilespmem:$0x1E000] =	vst v63  }
0xfe: {  	_ =	swait.ge [sflag:s22], $0x4000  }
0xff: {  	[sflag:s22] =	ssyncset.done $0x0  }
0x100: {  	s19 =	simm.s32 $0x1180;
	[sflag:s22] =	ssyncadd.s32 $0xFFFFC000  }
0x101: {  	[tilespmem:s28], [sflag:$0x2] =	stream.indirect.gather [hbm4b:s4+s26], $0x80, s19, s26, $0xb8;
	[tilespmem:$0x1E000] =	vst v63  }
0x102: {  	_ =	swait.ge [sflag:s29], $0x4000  }
0x103: {  	[sflag:s29] =	ssyncset.done $0x0  }
0x104: {  	s30 =	simm.s32 $0x1900;
	[sflag:s29] =	ssyncadd.s32 $0xFFFFC000  }
0x105: {  	[spmem:s1] =	stream.indirect.scatter.add.f32 [tilespmem:s21], [sflag:$0x4], $0x80, s30, s26, $0xb8;
	[tilespmem:$0x1E000] =	vst v63  }
0x106: {  	_ =	swait.ge [sflag:s22], $0x4000  }
0x107: {  	[sflag:s22] =	ssyncset.done $0x0  }
0x108: {  	s19 =	simm.s32 $0x1200;
	[sflag:s22] =	ssyncadd.s32 $0xFFFFC000  }
0x109: {  	[tilespmem:s21], [sflag:$0x1] =	stream.indirect.gather [hbm4b:s4+s26], $0x80, s19, s26, $0xb8;
	[tilespmem:$0x1E000] =	vst v63  }
0x10a: {  	_ =	swait.ge [sflag:s31], $0x4000  }
0x10b: {  	[sflag:s31] =	ssyncset.done $0x0  }
0x10c: {  	s30 =	simm.s32 $0x1980;
	[sflag:s31] =	ssyncadd.s32 $0xFFFFC000  }
0x10d: {  	[spmem:s1] =	stream.indirect.scatter.add.f32 [tilespmem:s28], [sflag:$0x4], $0x80, s30, s26, $0xb8;
	[tilespmem:$0x1E000] =	vst v63  }
0x10e: {  	_ =	swait.ge [sflag:s22], $0x4000  }
0x10f: {  	[sflag:s22] =	ssyncset.done $0x0  }
0x110: {  	s19 =	simm.s32 $0x1280;
	[sflag:s22] =	ssyncadd.s32 $0xFFFFC000  }
0x111: {  	[tilespmem:s28], [sflag:$0x2] =	stream.indirect.gather [hbm4b:s4+s26], $0x80, s19, s26, $0xb8;
	[tilespmem:$0x1E000] =	vst v63  }
0x112: {  	_ =	swait.ge [sflag:s29], $0x4000  }
0x113: {  	[sflag:s29] =	ssyncset.done $0x0  }
0x114: {  	s30 =	simm.s32 $0x1A00;
	[sflag:s29] =	ssyncadd.s32 $0xFFFFC000  }
0x115: {  	[spmem:s1] =	stream.indirect.scatter.add.f32 [tilespmem:s21], [sflag:$0x4], $0x80, s30, s26, $0xb8;
	[tilespmem:$0x1E000] =	vst v63  }
0x116: {  	_ =	swait.ge [sflag:s22], $0x4000  }
0x117: {  	[sflag:s22] =	ssyncset.done $0x0  }
0x118: {  	s19 =	simm.s32 $0x1300;
	[sflag:s22] =	ssyncadd.s32 $0xFFFFC000  }
0x119: {  	[tilespmem:s21], [sflag:$0x1] =	stream.indirect.gather [hbm4b:s4+s26], $0x80, s19, s26, $0xb8;
	[tilespmem:$0x1E000] =	vst v63  }
0x11a: {  	_ =	swait.ge [sflag:s31], $0x4000  }
0x11b: {  	[sflag:s31] =	ssyncset.done $0x0  }
0x11c: {  	s30 =	simm.s32 $0x1A80;
	[sflag:s31] =	ssyncadd.s32 $0xFFFFC000  }
0x11d: {  	[spmem:s1] =	stream.indirect.scatter.add.f32 [tilespmem:s28], [sflag:$0x4], $0x80, s30, s26, $0xb8;
	[tilespmem:$0x1E000] =	vst v63  }
0x11e: {  	_ =	swait.ge [sflag:s22], $0x4000  }
0x11f: {  	[sflag:s22] =	ssyncset.done $0x0  }
0x120: {  	s19 =	simm.s32 $0x1380;
	[sflag:s22] =	ssyncadd.s32 $0xFFFFC000  }
0x121: {  	[tilespmem:s28], [sflag:$0x2] =	stream.indirect.gather [hbm4b:s4+s26], $0x80, s19, s26, $0xb8;
	[tilespmem:$0x1E000] =	vst v63  }
0x122: {  	_ =	swait.ge [sflag:s29], $0x4000  }
0x123: {  	[sflag:s29] =	ssyncset.done $0x0  }
0x124: {  	s30 =	simm.s32 $0x1B00;
	[sflag:s29] =	ssyncadd.s32 $0xFFFFC000  }
0x125: {  	[spmem:s1] =	stream.indirect.scatter.add.f32 [tilespmem:s21], [sflag:$0x4], $0x80, s30, s26, $0xb8;
	[tilespmem:$0x1E000] =	vst v63  }
0x126: {  	_ =	swait.ge [sflag:s22], $0x4000  }
0x127: {  	[sflag:s22] =	ssyncset.done $0x0  }
0x128: {  	s19 =	simm.s32 $0x1400;
	[sflag:s22] =	ssyncadd.s32 $0xFFFFC000  }
0x129: {  	[tilespmem:s21], [sflag:$0x1] =	stream.indirect.gather [hbm4b:s4+s26], $0x80, s19, s26, $0xb8;
	[tilespmem:$0x1E000] =	vst v63  }
0x12a: {  	_ =	swait.ge [sflag:s31], $0x4000  }
0x12b: {  	[sflag:s31] =	ssyncset.done $0x0  }
0x12c: {  	s30 =	simm.s32 $0x1B80;
	[sflag:s31] =	ssyncadd.s32 $0xFFFFC000  }
0x12d: {  	[spmem:s1] =	stream.indirect.scatter.add.f32 [tilespmem:s28], [sflag:$0x4], $0x80, s30, s26, $0xb8;
	[tilespmem:$0x1E000] =	vst v63  }
0x12e: {  	_ =	swait.ge [sflag:s22], $0x4000  }
0x12f: {  	[sflag:s22] =	ssyncset.done $0x0  }
0x130: {  	s19 =	simm.s32 $0x1480;
	[sflag:s22] =	ssyncadd.s32 $0xFFFFC000  }
0x131: {  	[tilespmem:s28], [sflag:$0x2] =	stream.indirect.gather [hbm4b:s4+s26], $0x80, s19, s26, $0xb8;
	[tilespmem:$0x1E000] =	vst v63  }
0x132: {  	_ =	swait.ge [sflag:s29], $0x4000  }
0x133: {  	[sflag:s29] =	ssyncset.done $0x0  }
0x134: {  	s30 =	simm.s32 $0x1C00;
	[sflag:s29] =	ssyncadd.s32 $0xFFFFC000  }
0x135: {  	[spmem:s1] =	stream.indirect.scatter.add.f32 [tilespmem:s21], [sflag:$0x4], $0x80, s30, s26, $0xb8;
	[tilespmem:$0x1E000] =	vst v63  }
0x136: {  	_ =	swait.ge [sflag:s22], $0x4000  }
0x137: {  	[sflag:s22] =	ssyncset.done $0x0  }
0x138: {  	s19 =	simm.s32 $0x1500;
	[sflag:s22] =	ssyncadd.s32 $0xFFFFC000  }
0x139: {  	[tilespmem:s21], [sflag:$0x1] =	stream.indirect.gather [hbm4b:s4+s26], $0x80, s19, s26, $0xb8;
	[tilespmem:$0x1E000] =	vst v63  }
0x13a: {  	_ =	swait.ge [sflag:s31], $0x4000  }
0x13b: {  	[sflag:s31] =	ssyncset.done $0x0  }
0x13c: {  	s30 =	simm.s32 $0x1C80;
	[sflag:s31] =	ssyncadd.s32 $0xFFFFC000  }
0x13d: {  	[spmem:s1] =	stream.indirect.scatter.add.f32 [tilespmem:s28], [sflag:$0x4], $0x80, s30, s26, $0xb8;
	[tilespmem:$0x1E000] =	vst v63  }
0x13e: {  	_ =	swait.ge [sflag:s22], $0x4000  }
0x13f: {  	[sflag:s22] =	ssyncset.done $0x0  }
0x140: {  	[sflag:s22] =	ssyncadd.s32 $0xFFFFC000  }
0x141: {  	[tilespmem:s28], [sflag:$0x2] =	stream.indirect.gather [hbm4b:s4+s26], $0x80, s0, s26, $0xb8;
	[tilespmem:$0x1E000] =	vst v63  }
0x142: {  	_ =	swait.ge [sflag:s29], $0x4000  }
0x143: {  	[sflag:s29] =	ssyncset.done $0x0  }
0x144: {  	[sflag:s29] =	ssyncadd.s32 $0xFFFFC000  }
0x145: {  	[spmem:s1] =	stream.indirect.scatter.add.f32 [tilespmem:s21], [sflag:$0x4], $0x80, s2, s26, $0xb8;
	[tilespmem:$0x1E000] =	vst v63  }
0x146: {  	_ =	swait.ge [sflag:s22], $0x4000  }
0x147: {  	[sflag:s22] =	ssyncset.done $0x0  }
0x148: {  	[sflag:s22] =	ssyncadd.s32 $0xFFFFC000  }
0x149: {  	[tilespmem:s21], [sflag:$0x1] =	stream.indirect.gather [hbm4b:s4+s26], $0x80, s9, s26, $0xb8;
	[tilespmem:$0x1E000] =	vst v63  }
0x14a: {  	_ =	swait.ge [sflag:s31], $0x4000  }
0x14b: {  	[sflag:s31] =	ssyncset.done $0x0  }
0x14c: {  	[sflag:s31] =	ssyncadd.s32 $0xFFFFC000  }
0x14d: {  	[spmem:s1] =	stream.indirect.scatter.add.f32 [tilespmem:s28], [sflag:$0x4], $0x80, s10, s26, $0xb8;
	[tilespmem:$0x1E000] =	vst v63  }
0x14e: {  	_ =	swait.ge [sflag:s22], $0x4000  }
0x14f: {  	[sflag:s22] =	ssyncset.done $0x0  }
0x150: {  	[sflag:s22] =	ssyncadd.s32 $0xFFFFC000  }
0x151: {  	[tilespmem:s28], [sflag:$0x2] =	stream.indirect.gather [hbm4b:s4+s26], $0x80, s20, s26, $0xb8;
	[tilespmem:$0x1E000] =	vst v63  }
0x152: {  	_ =	swait.ge [sflag:s29], $0x4000  }
0x153: {  	[sflag:s29] =	ssyncset.done $0x0  }
0x154: {  	[sflag:s29] =	ssyncadd.s32 $0xFFFFC000  }
0x155: {  	[spmem:s1] =	stream.indirect.scatter.add.f32 [tilespmem:s21], [sflag:$0x4], $0x80, s11, s26, $0xb8;
	[tilespmem:$0x1E000] =	vst v63  }
0x156: {  	_ =	swait.ge [sflag:s22], $0x4000  }
0x157: {  	[sflag:s22] =	ssyncset.done $0x0  }
0x158: {  	[sflag:s22] =	ssyncadd.s32 $0xFFFFC000  }
0x159: {  	[tilespmem:s21], [sflag:$0x1] =	stream.indirect.gather [hbm4b:s4+s26], $0x80, s12, s26, $0xb8;
	[tilespmem:$0x1E000] =	vst v63  }
0x15a: {  	_ =	swait.ge [sflag:s31], $0x4000  }
0x15b: {  	[sflag:s31] =	ssyncset.done $0x0  }
0x15c: {  	[sflag:s31] =	ssyncadd.s32 $0xFFFFC000  }
0x15d: {  	[spmem:s1] =	stream.indirect.scatter.add.f32 [tilespmem:s28], [sflag:$0x4], $0x80, s13, s26, $0xb8;
	[tilespmem:$0x1E000] =	vst v63  }
0x15e: {  	_ =	swait.ge [sflag:s22], $0x4000  }
0x15f: {  	[sflag:s22] =	ssyncset.done $0x0  }
0x160: {  	[sflag:s22] =	ssyncadd.s32 $0xFFFFC000  }
0x161: {  	[tilespmem:s28], [sflag:$0x2] =	stream.indirect.gather [hbm4b:s4+s26], $0x80, s14, s26, $0xb8;
	[tilespmem:$0x1E000] =	vst v63  }
0x162: {  	_ =	swait.ge [sflag:s29], $0x4000  }
0x163: {  	[sflag:s29] =	ssyncset.done $0x0  }
.Ltmp3:
0x164: {  	[sflag:s29] =	ssyncadd.s32 $0xFFFFC000;
	(pc) =	sbr.rel @p0 .LBB2_6-.Ltmp3, $4  }
0x165: {  	[spmem:s1] =	stream.indirect.scatter.add.f32 [tilespmem:s21], [sflag:$0x4], $0x80, s15, s26, $0xb8;
	[tilespmem:$0x1E000] =	vst v63  }
0x166: {  	_ =	swait.ge [sflag:s22], $0x4000  }
0x167: {  	[sflag:s22] =	ssyncset.done $0x0  }
0x168: {  	[sflag:s22] =	ssyncadd.s32 $0xFFFFC000  }
0x169: {  	_ =	swait.ge [sflag:s23], $0x800  }
0x16a: {  	[sflag:s23] =	ssyncset.done $0x0  }
0x16b: {  	[sflag:s23] =	ssyncadd.s32 $0xFFFFF800  }
0x16c: {  	_ =	swait.ge [sflag:s23], $0x800  }
0x16d: {  	[sflag:s23] =	ssyncset.done $0x0  }
0x16e: {  	[sflag:s23] =	ssyncadd.s32 $0xFFFFF800  }
0x16f: {  	[tilespmem:s21], [sflag:$0x1] =	stream.indirect.gather [hbm4b:s4+s26], $0x80, s3, s26, $0xb8;
	[tilespmem:$0x1E000] =	vst v63  }
0x170: {  	_ =	swait.ge [sflag:s31], $0x4000  }
0x171: {  	[sflag:s31] =	ssyncset.done $0x0  }
0x172: {  	[sflag:s31] =	ssyncadd.s32 $0xFFFFC000  }
0x173: {  	[spmem:s1] =	stream.indirect.scatter.add.f32 [tilespmem:s28], [sflag:$0x4], $0x80, s16, s26, $0xb8;
	[tilespmem:$0x1E000] =	vst v63  }
0x174: {  	_ =	swait.ge [sflag:s22], $0x4000  }
0x175: {  	[sflag:s22] =	ssyncset.done $0x0  }
0x176: {  	[sflag:s22] =	ssyncadd.s32 $0xFFFFC000  }
0x177: {  	[tilespmem:s28], [sflag:$0x2] =	stream.indirect.gather [hbm4b:s4+s26], $0x80, s26, s26, $0xb8;
	[tilespmem:$0x1E000] =	vst v63  }
.Ltmp4:
0x178: {  	_ = 	snop;
	(pc) =	sbr.rel .LBB2_4-.Ltmp4, $4  }
0x179: {  	s8 =	sadd.s32 s6, s18;
	s30 =	sadd.s32 s6, s17  }
0x17a: {  	[tilespmem:s24], [sflag:$0x3] =	stream.linear.gather [hbm4b:s8+s3], $0x800, $0x38;
	[tilespmem:$0x1E000] =	vst v63  }
0x17b: {  	s6 =	sadd.s32 $0x200, s6;
	s7 =	sadd.s32 $0x1000, s7;
	s8 =	sadd.s32 $0x300, s30  }
0x17c: {  	[tilespmem:s25], [sflag:$0x3] =	stream.linear.gather [hbm4b:s8+s3], $0x800, $0x38;
	[tilespmem:$0x1E000] =	vst v63  }
.LBB2_7:
0x17d: {  	_ =	sfence.sel $0x180000  }
0x17e: {  	[bflag:$0x0] =	sbarrier.arrive $0xFFFF  }
0x17f: {  	_ =	strace $0x90000047  }
0x180: {  	s0 =	stileid.u32;
	[bflag:$0x2] =	sbarrier.arrive $0xFFFF  }
0x181: {  	p0 =	sne.s32 s0, $0x0;
	s0 =	rddreg [dreg:$0x2]  }
0x182: {  	s0 =	sadd.s32 @!p0 $0x100000, s0  }
0x183: {  	[sflag:s0] =	ssyncadd.tile.s32 @!p0 $0x1;
	_ =	shalt  }
.Lfunc_end2:
_tile_overlayer_lowered:
.L_overlay_start_2:
0x184: {  	(tag) =	ssettag $0x2  }
0x185: {  	s0 =	rddreg [dreg:$0x0];
	s2 =	stileid.u32  }
0x186: {  	s1 =	rddreg [dreg:$0x1];
	p0 =	sne.s32 s2, $0x0  }
0x187: {  	s3 =	rddreg [dreg:$0x2];
	[bflag:$0x3] =	sbarrier.arrive $0xFFFF;
	s2 =	simm.s32 @!p0 $0x1C04  }
0x188: {  	[timem:s3], [sflag:s2] =	dma.local @!p0 [hbm:s0], s1  }
0x189: {  	s0 =	simm.s32 @!p0 $0x4  }
0x18a: {  	_ =	swait.ge @!p0 [sflag:s0], s1  }
0x18b: {  	s1 =	ssub.s32 @!p0 $0x0, s1;
	[sflag:s0] =	ssyncset.done @!p0 $0x0  }
0x18c: {  	[sflag:s0] =	ssyncadd.s32 @!p0 s1  }
0x18d: {  	[bflag:$0x3] =	sbarrier.arrive $0xFFFF  }
0x18e: {  	_ =	shalt  }

</sc_bundles>
